<compile_context>
chip_gen: v7x
topology: tpu7x:2x2x1
jax: 0.10.2.dev20260603
libtpu: 0.0.44.dev20260713+nightly
codegen_flags: <defaults>
</compile_context>

<pallas_src>
import functools

import jax
import jax.numpy as jnp
from jax import lax
from jax.experimental import pallas as pl
from jax.experimental.pallas import tpu as pltpu
from jax.experimental.pallas import tpu_sc as plsc

N_NODES = 10000
N_EDGES = 160000
IN_CH = 256
HIDDEN = 512
OUT_CH = 128

NC = 2
NS = 16
NW = NC * NS
CHUNK = 128
CHUNKS_PER_TILE = 40
N_CHUNKS_PAD = NW * CHUNKS_PER_TILE
ACC_ROWS = N_NODES + 16
DUMP_ROW = N_NODES
ROWS_A = 624
ROWS_LAST = N_NODES - (NS - 1) * ROWS_A


def _mlp_body(x_ref, w1_ref, w2_ref, h_ref):
    t = jnp.dot(x_ref[...].astype(jnp.bfloat16),
                w1_ref[...].astype(jnp.bfloat16),
                preferred_element_type=jnp.float32)
    t = jnp.maximum(t, 0.0)
    h_ref[...] = jnp.dot(t.astype(jnp.bfloat16),
                         w2_ref[...].astype(jnp.bfloat16),
                         preferred_element_type=jnp.float32)


def _mlp(x, W1, W2):
    R = 1000
    return pl.pallas_call(
        _mlp_body,
        grid=(N_NODES // R,),
        in_specs=[
            pl.BlockSpec((R, IN_CH), lambda i: (i, 0)),
            pl.BlockSpec((IN_CH, HIDDEN), lambda i: (0, 0)),
            pl.BlockSpec((HIDDEN, OUT_CH), lambda i: (0, 0)),
        ],
        out_specs=pl.BlockSpec((R, OUT_CH), lambda i: (i, 0)),
        out_shape=jax.ShapeDtypeStruct((N_NODES, OUT_CH), jnp.float32),
    )(x, W1, W2)


def _sc_body(h_hbm, src_hbm, dst_hbm, out_hbm,
             acc, srcbuf, dstbuf, rows, sem_a, sem_b):
    cid = lax.axis_index("c")
    sid = lax.axis_index("s")
    wid = sid * NC + cid
    rbase = pl.multiple_of(sid * ROWS_A, 8)

    cbase = pl.multiple_of(wid * CHUNKS_PER_TILE, 8)
    pltpu.sync_copy(src_hbm.at[pl.ds(cbase, CHUNKS_PER_TILE)], srcbuf)
    pltpu.sync_copy(dst_hbm.at[pl.ds(cbase, CHUNKS_PER_TILE)], dstbuf)

    def zrow(i, carry):
        def zcol(j, c2):
            rows[0, i, pl.ds(j * 16, 16)] = jnp.zeros((16,), jnp.float32)
            return c2
        return lax.fori_loop(0, OUT_CH // 16, zcol, carry)
    lax.fori_loop(0, CHUNK, zrow, 0)

    @pl.when(sid < NS - 1)
    def _():
        for k in range(ROWS_A // CHUNK):
            pltpu.sync_copy(rows.at[0], acc.at[pl.ds(rbase + k * CHUNK, CHUNK)])
        tail = ROWS_A % CHUNK
        pltpu.sync_copy(rows.at[0].at[pl.ds(0, tail)],
                        acc.at[pl.ds(rbase + ROWS_A - tail, tail)])

    @pl.when(sid == NS - 1)
    def _():
        for k in range(ROWS_LAST // CHUNK):
            pltpu.sync_copy(rows.at[0], acc.at[pl.ds(rbase + k * CHUNK, CHUNK)])
    plsc.subcore_barrier()

    n_real = 1 + (N_EDGES // CHUNK - 1 - wid * CHUNKS_PER_TILE)

    def step(j, carry):
        c0 = 2 * j

        @pl.when(c0 < n_real)
        def _():
            da = pltpu.async_copy(h_hbm.at[srcbuf.at[c0]], rows.at[0], sem_a)
            db = pltpu.async_copy(h_hbm.at[srcbuf.at[c0 + 1]], rows.at[1],
                                  sem_b)
            da.wait()
            pltpu.sync_copy(rows.at[0], acc.at[dstbuf.at[c0]], add=True)
            db.wait()
            pltpu.sync_copy(rows.at[1], acc.at[dstbuf.at[c0 + 1]], add=True)
        return carry
    lax.fori_loop(0, CHUNKS_PER_TILE // 2, step, 0)

    plsc.subcore_barrier()

    @pl.when(sid < NS - 1)
    def _():
        for k in range(ROWS_A // CHUNK):
            sl = pl.ds(rbase + k * CHUNK, CHUNK)
            pltpu.sync_copy(acc.at[sl], rows.at[0])
            pltpu.sync_copy(rows.at[0], out_hbm.at[cid, sl])
        tail = ROWS_A % CHUNK
        sl = pl.ds(rbase + ROWS_A - tail, tail)
        pltpu.sync_copy(acc.at[sl], rows.at[0].at[pl.ds(0, tail)])
        pltpu.sync_copy(rows.at[0].at[pl.ds(0, tail)], out_hbm.at[cid, sl])

    @pl.when(sid == NS - 1)
    def _():
        for k in range(ROWS_LAST // CHUNK):
            sl = pl.ds(rbase + k * CHUNK, CHUNK)
            pltpu.sync_copy(acc.at[sl], rows.at[0])
            pltpu.sync_copy(rows.at[0], out_hbm.at[cid, sl])


def _sc_scatter(h, src2d, dst2d):
    mesh = plsc.VectorSubcoreMesh(core_axis_name="c", subcore_axis_name="s")
    fn = pl.kernel(
        _sc_body,
        out_type=jax.ShapeDtypeStruct((NC, N_NODES, OUT_CH), jnp.float32),
        mesh=mesh,
        scratch_types=[
            pltpu.VMEM_SHARED((ACC_ROWS, OUT_CH), jnp.float32),
            pltpu.VMEM((CHUNKS_PER_TILE, CHUNK), jnp.int32),
            pltpu.VMEM((CHUNKS_PER_TILE, CHUNK), jnp.int32),
            pltpu.VMEM((2, CHUNK, OUT_CH), jnp.float32),
            pltpu.SemaphoreType.DMA,
            pltpu.SemaphoreType.DMA,
        ],
    )
    return fn(h, src2d, dst2d)


def _add_body(p_ref, o_ref):
    o_ref[...] = p_ref[0] + p_ref[1]


def _combine(partials):
    R = 2000
    return pl.pallas_call(
        _add_body,
        grid=(N_NODES // R,),
        in_specs=[pl.BlockSpec((NC, R, OUT_CH), lambda i: (0, i, 0))],
        out_specs=pl.BlockSpec((R, OUT_CH), lambda i: (i, 0)),
        out_shape=jax.ShapeDtypeStruct((N_NODES, OUT_CH), jnp.float32),
    )(partials)


def kernel(x, edge_index, W1, W2):
    h = _mlp(x, W1, W2)
    n_pad = N_CHUNKS_PAD * CHUNK - N_EDGES
    src = jnp.pad(edge_index[0].astype(jnp.int32), (0, n_pad),
                  constant_values=0).reshape(N_CHUNKS_PAD, CHUNK)
    dst = jnp.pad(edge_index[1].astype(jnp.int32), (0, n_pad),
                  constant_values=DUMP_ROW).reshape(N_CHUNKS_PAD, CHUNK)
    partials = _sc_scatter(h, src, dst)
    return _combine(partials)

# --- scband reference (transcript-rebuilt; emitter-appended) ---
"""Pipeline reference for scband-fast-gcn-27496380629021 (READ-ONLY COPY).

The authoritative reference and input builder live on the scoring server;
editing this copy changes nothing except your own understanding.
"""

import jax, jax.numpy as jnp
import numpy as np

N_NODES = 10000
N_EDGES = 160000
IN_CH = 256
HIDDEN = 512
OUT_CH = 128


def setup_inputs(seed: int = 0) -> dict:
    key = jax.random.key(seed)
    k1, k2, k3, k4 = jax.random.split(key, 4)
    x = jax.random.normal(k1, (N_NODES, IN_CH), dtype=jnp.float32)
    edge_index = jax.random.randint(k2, (2, N_EDGES), 0, N_NODES, dtype=jnp.int64)
    # Dense hidden layer weight (glorot-like scale), use_bias=False
    W1 = jax.random.normal(k3, (IN_CH, HIDDEN), dtype=jnp.float32) * (1.0 / np.sqrt(IN_CH))
    # GraphConvolution weight, use_bias=False
    W2 = jax.random.normal(k4, (HIDDEN, OUT_CH), dtype=jnp.float32) * (1.0 / np.sqrt(HIDDEN))
    return {"x": x, "edge_index": edge_index, "W1": W1, "W2": W2}


def reference(x, edge_index, W1, W2):
    # FastGCN forward (inference mode: dropout is identity):
    #   h = relu(x @ W1)
    #   out = adj @ (h @ W2)   -- sparse adjacency applied as gather + scatter-add
    h = jax.nn.relu(jnp.dot(x, W1))
    h = jnp.dot(h, W2)
    src = edge_index[0]
    dst = edge_index[1]
    msgs = jnp.take(h, src, axis=0)  # gather source-node features per edge
    out = jax.ops.segment_sum(msgs, dst, num_segments=N_NODES)  # scatter-add to dst
    return out

if __name__ == "__main__":
    import jax
    _d = setup_inputs()
    print(jax.jit(kernel)(*tuple(_d.values())))

</pallas_src>

<mosaic_0001>
#map = affine_map<(d0, d1) -> (0, 0)>
#map1 = affine_map<(d0, d1) -> (0, 0, 0)>
module attributes {stable_mosaic.version = 14 : i64} {
  func.func @_sc_body(%arg0: i32, %arg1: i32, %arg2: memref<10000x128xf32, #tpu.memory_space<hbm>>, %arg3: memref<1280x128xi32, #tpu.memory_space<hbm>>, %arg4: memref<1280x128xi32, #tpu.memory_space<hbm>>, %arg5: memref<2x10000x128xf32, #tpu.memory_space<hbm>>, %arg6: memref<10016x128xf32, #tpu.memory_space<vmem_shared>>, %arg7: memref<40x128xi32, #tpu.memory_space<vmem>>, %arg8: memref<40x128xi32, #tpu.memory_space<vmem>>, %arg9: memref<2x128x128xf32, #tpu.memory_space<vmem>>, %arg10: memref<!tpu.dma_semaphore, #tpu.memory_space<semaphore_mem>>, %arg11: memref<!tpu.dma_semaphore, #tpu.memory_space<semaphore_mem>>) attributes {dimension_semantics = [#tpu.dimension_semantics<core_parallel>, #tpu.dimension_semantics<subcore_parallel>], iteration_bounds = array<i64: 2, 16>, scalar_prefetch = 0 : i64, scratch_operands = 6 : i64, tpu.core_type = #tpu.core_type<sc_vector_subcore>, window_params = [{transform_indices = #map}, {transform_indices = #map}, {transform_indices = #map}, {transform_indices = #map1}]} {
    %mul3A = arith.constant 2 : i32
    %mul3A_0 = arith.muli %arg1, %mul3A : i32
    %add3A = arith.addi %mul3A_0, %arg0 : i32
    %mul3A_1 = arith.constant 624 : i32
    %mul3A_2 = arith.muli %arg1, %mul3A_1 : i32
    %multiple_of3A = tpu.assume_multiple %mul3A_2, 8 : i32
    %mul3A_3 = arith.constant 40 : i32
    %mul3A_4 = arith.muli %add3A, %mul3A_3 : i32
    %multiple_of3A_5 = tpu.assume_multiple %mul3A_4, 8 : i32
    "tpu.region"() ({
      %run_scoped3A = tpu.sem_alloc : memref<!tpu.dma_semaphore, #tpu.memory_space<semaphore_mem>>
      %dma_start3A = arith.constant 0 : i32
      %dma_start3A_39 = tpu.memref_slice %arg3[%multiple_of3A_5, %dma_start3A] : memref<1280x128xi32, #tpu.memory_space<hbm>> -> memref<40x128xi32, #tpu.memory_space<hbm>>
      %dma_start3A_40 = arith.constant 0 : i32
      %dma_start3A_41 = tpu.memref_slice %arg3[%multiple_of3A_5, %dma_start3A_40] : memref<1280x128xi32, #tpu.memory_space<hbm>> -> memref<40x128xi32, #tpu.memory_space<hbm>>
      tpu.enqueue_dma source(%dma_start3A_41 : memref<40x128xi32, #tpu.memory_space<hbm>>) target(%arg7 : memref<40x128xi32, #tpu.memory_space<vmem>>) target_semaphore(%run_scoped3A : memref<!tpu.dma_semaphore, #tpu.memory_space<semaphore_mem>>)
      %dma_wait3A = arith.constant 0 : i32
      %dma_wait3A_42 = tpu.memref_slice %arg3[%multiple_of3A_5, %dma_wait3A] : memref<1280x128xi32, #tpu.memory_space<hbm>> -> memref<40x128xi32, #tpu.memory_space<hbm>>
      %dma_wait3A_43 = arith.constant 0 : i32
      %dma_wait3A_44 = tpu.memref_slice %arg3[%multiple_of3A_5, %dma_wait3A_43] : memref<1280x128xi32, #tpu.memory_space<hbm>> -> memref<40x128xi32, #tpu.memory_space<hbm>>
      tpu.wait_dma2 semaphore(%run_scoped3A : memref<!tpu.dma_semaphore, #tpu.memory_space<semaphore_mem>>) src(%dma_wait3A_44 : memref<40x128xi32, #tpu.memory_space<hbm>>) dst(%arg7 : memref<40x128xi32, #tpu.memory_space<vmem>>)
      tpu.yield
    }) : () -> ()
    "tpu.region"() ({
      %run_scoped3A = tpu.sem_alloc : memref<!tpu.dma_semaphore, #tpu.memory_space<semaphore_mem>>
      %dma_start3A = arith.constant 0 : i32
      %dma_start3A_39 = tpu.memref_slice %arg4[%multiple_of3A_5, %dma_start3A] : memref<1280x128xi32, #tpu.memory_space<hbm>> -> memref<40x128xi32, #tpu.memory_space<hbm>>
      %dma_start3A_40 = arith.constant 0 : i32
      %dma_start3A_41 = tpu.memref_slice %arg4[%multiple_of3A_5, %dma_start3A_40] : memref<1280x128xi32, #tpu.memory_space<hbm>> -> memref<40x128xi32, #tpu.memory_space<hbm>>
      tpu.enqueue_dma source(%dma_start3A_41 : memref<40x128xi32, #tpu.memory_space<hbm>>) target(%arg8 : memref<40x128xi32, #tpu.memory_space<vmem>>) target_semaphore(%run_scoped3A : memref<!tpu.dma_semaphore, #tpu.memory_space<semaphore_mem>>)
      %dma_wait3A = arith.constant 0 : i32
      %dma_wait3A_42 = tpu.memref_slice %arg4[%multiple_of3A_5, %dma_wait3A] : memref<1280x128xi32, #tpu.memory_space<hbm>> -> memref<40x128xi32, #tpu.memory_space<hbm>>
      %dma_wait3A_43 = arith.constant 0 : i32
      %dma_wait3A_44 = tpu.memref_slice %arg4[%multiple_of3A_5, %dma_wait3A_43] : memref<1280x128xi32, #tpu.memory_space<hbm>> -> memref<40x128xi32, #tpu.memory_space<hbm>>
      tpu.wait_dma2 semaphore(%run_scoped3A : memref<!tpu.dma_semaphore, #tpu.memory_space<semaphore_mem>>) src(%dma_wait3A_44 : memref<40x128xi32, #tpu.memory_space<hbm>>) dst(%arg8 : memref<40x128xi32, #tpu.memory_space<vmem>>)
      tpu.yield
    }) : () -> ()
    %scan3A = arith.constant 0 : i32
    %scan3A_6 = arith.constant 0 : i32
    %scan3A_7 = arith.constant 128 : i32
    %scan3A_8 = arith.addi %scan3A_6, %scan3A_7 : i32
    %scan3A_9 = arith.constant 1 : i32
    scf.for %scan3A_39 = %scan3A_6 to %scan3A_8 step %scan3A_9  : i32 {
      %scan3A_40 = arith.constant 0 : i32
      %scan3A_41 = arith.constant 8 : i32
      %scan3A_42 = arith.addi %scan3A_40, %scan3A_41 : i32
      %scan3A_43 = arith.constant 1 : i32
      scf.for %scan3A_45 = %scan3A_40 to %scan3A_42 step %scan3A_43  : i32 {
        %broadcast_in_dim3A = arith.constant 0.000000e+00 : f32
        %broadcast_in_dim3A_46 = vector.broadcast %broadcast_in_dim3A : f32 to vector<16xf32>
        %mul3A_47 = arith.constant 16 : i32
        %mul3A_48 = arith.muli %scan3A_45, %mul3A_47 : i32
        %swap3A = arith.constant 0 : i32
        %swap3A_49 = arith.index_cast %swap3A : i32 to index
        %swap3A_50 = arith.index_cast %scan3A_39 : i32 to index
        %swap3A_51 = arith.index_cast %mul3A_48 : i32 to index
        %swap3A_52 = tpu.vector_load %arg9[%swap3A_49, %swap3A_50, %swap3A_51] {strides = array<i32>} : memref<2x128x128xf32, #tpu.memory_space<vmem>>, vector<1x1x16xf32>,
        %swap3A_53 = vector.shape_cast %swap3A_52 : vector<1x1x16xf32> to vector<16xf32>
        %swap3A_54 = vector.shape_cast %broadcast_in_dim3A_46 : vector<16xf32> to vector<1x1x16xf32>
        tpu.vector_store %arg9[%swap3A_49, %swap3A_50, %swap3A_51], %swap3A_54 {strides = array<i32>} : memref<2x128x128xf32, #tpu.memory_space<vmem>>, vector<1x1x16xf32>,
      }
      %scan3A_44 = arith.constant 8 : i32
    }
    %scan3A_10 = arith.constant 128 : i32
    %lt3A = arith.constant 15 : i32
    %lt3A_11 = arith.cmpi slt, %arg1, %lt3A : i32
    %convert_element_type3A = arith.extui %lt3A_11 : i1 to i32
    %cond3A = arith.constant 0 : i32
    %cond3A_12 = arith.cmpi ne, %convert_element_type3A, %cond3A : i32
    scf.if %cond3A_12 {
      %add3A_39 = arith.constant 0 : i32
      %add3A_40 = arith.addi %multiple_of3A, %add3A_39 : i32
      %run_scoped3A = arith.constant 0 : i32
      "tpu.region"() ({
        %run_scoped3A_55 = tpu.sem_alloc : memref<!tpu.dma_semaphore, #tpu.memory_space<semaphore_mem>>
        %dma_start3A = arith.constant 0 : i32
        %dma_start3A_56 = arith.constant 0 : i32
        %dma_start3A_57 = tpu.memref_slice %arg9[%run_scoped3A, %dma_start3A, %dma_start3A_56] : memref<2x128x128xf32, #tpu.memory_space<vmem>> -> memref<1x128x128xf32, #tpu.memory_space<vmem>>
        %dma_start3A_58 = tpu.memref_squeeze %dma_start3A_57 : memref<1x128x128xf32, #tpu.memory_space<vmem>> -> memref<128x128xf32, #tpu.memory_space<vmem>>
        %dma_start3A_59 = arith.constant 0 : i32
        %dma_start3A_60 = tpu.memref_slice %arg6[%add3A_40, %dma_start3A_59] : memref<10016x128xf32, #tpu.memory_space<vmem_shared>> -> memref<128x128xf32, #tpu.memory_space<vmem_shared>>
        %dma_start3A_61 = arith.constant 0 : i32
        %dma_start3A_62 = tpu.memref_slice %arg6[%add3A_40, %dma_start3A_61] : memref<10016x128xf32, #tpu.memory_space<vmem_shared>> -> memref<128x128xf32, #tpu.memory_space<vmem_shared>>
        %dma_start3A_63 = arith.constant 0 : i32
        %dma_start3A_64 = arith.constant 0 : i32
        %dma_start3A_65 = tpu.memref_slice %arg9[%run_scoped3A, %dma_start3A_63, %dma_start3A_64] : memref<2x128x128xf32, #tpu.memory_space<vmem>> -> memref<1x128x128xf32, #tpu.memory_space<vmem>>
        %dma_start3A_66 = tpu.memref_squeeze %dma_start3A_65 : memref<1x128x128xf32, #tpu.memory_space<vmem>> -> memref<128x128xf32, #tpu.memory_space<vmem>>
        tpu.enqueue_dma source(%dma_start3A_66 : memref<128x128xf32, #tpu.memory_space<vmem>>) target(%dma_start3A_62 : memref<128x128xf32, #tpu.memory_space<vmem_shared>>) target_semaphore(%run_scoped3A_55 : memref<!tpu.dma_semaphore, #tpu.memory_space<semaphore_mem>>)
        %dma_wait3A = arith.constant 0 : i32
        %dma_wait3A_67 = arith.constant 0 : i32
        %dma_wait3A_68 = tpu.memref_slice %arg9[%run_scoped3A, %dma_wait3A, %dma_wait3A_67] : memref<2x128x128xf32, #tpu.memory_space<vmem>> -> memref<1x128x128xf32, #tpu.memory_space<vmem>>
        %dma_wait3A_69 = tpu.memref_squeeze %dma_wait3A_68 : memref<1x128x128xf32, #tpu.memory_space<vmem>> -> memref<128x128xf32, #tpu.memory_space<vmem>>
        %dma_wait3A_70 = arith.constant 0 : i32
        %dma_wait3A_71 = tpu.memref_slice %arg6[%add3A_40, %dma_wait3A_70] : memref<10016x128xf32, #tpu.memory_space<vmem_shared>> -> memref<128x128xf32, #tpu.memory_space<vmem_shared>>
        %dma_wait3A_72 = arith.constant 0 : i32
        %dma_wait3A_73 = tpu.memref_slice %arg6[%add3A_40, %dma_wait3A_72] : memref<10016x128xf32, #tpu.memory_space<vmem_shared>> -> memref<128x128xf32, #tpu.memory_space<vmem_shared>>
        %dma_wait3A_74 = arith.constant 0 : i32
        %dma_wait3A_75 = arith.constant 0 : i32
        %dma_wait3A_76 = tpu.memref_slice %arg9[%run_scoped3A, %dma_wait3A_74, %dma_wait3A_75] : memref<2x128x128xf32, #tpu.memory_space<vmem>> -> memref<1x128x128xf32, #tpu.memory_space<vmem>>
        %dma_wait3A_77 = tpu.memref_squeeze %dma_wait3A_76 : memref<1x128x128xf32, #tpu.memory_space<vmem>> -> memref<128x128xf32, #tpu.memory_space<vmem>>
        tpu.wait_dma2 semaphore(%run_scoped3A_55 : memref<!tpu.dma_semaphore, #tpu.memory_space<semaphore_mem>>) src(%dma_wait3A_77 : memref<128x128xf32, #tpu.memory_space<vmem>>) dst(%dma_wait3A_73 : memref<128x128xf32, #tpu.memory_space<vmem_shared>>)
        tpu.yield
      }) : () -> ()
      %add3A_41 = arith.constant 128 : i32
      %add3A_42 = arith.addi %multiple_of3A, %add3A_41 : i32
      %run_scoped3A_43 = arith.constant 0 : i32
      "tpu.region"() ({
        %run_scoped3A_55 = tpu.sem_alloc : memref<!tpu.dma_semaphore, #tpu.memory_space<semaphore_mem>>
        %dma_start3A = arith.constant 0 : i32
        %dma_start3A_56 = arith.constant 0 : i32
        %dma_start3A_57 = tpu.memref_slice %arg9[%run_scoped3A_43, %dma_start3A, %dma_start3A_56] : memref<2x128x128xf32, #tpu.memory_space<vmem>> -> memref<1x128x128xf32, #tpu.memory_space<vmem>>
        %dma_start3A_58 = tpu.memref_squeeze %dma_start3A_57 : memref<1x128x128xf32, #tpu.memory_space<vmem>> -> memref<128x128xf32, #tpu.memory_space<vmem>>
        %dma_start3A_59 = arith.constant 0 : i32
        %dma_start3A_60 = tpu.memref_slice %arg6[%add3A_42, %dma_start3A_59] : memref<10016x128xf32, #tpu.memory_space<vmem_shared>> -> memref<128x128xf32, #tpu.memory_space<vmem_shared>>
        %dma_start3A_61 = arith.constant 0 : i32
        %dma_start3A_62 = tpu.memref_slice %arg6[%add3A_42, %dma_start3A_61] : memref<10016x128xf32, #tpu.memory_space<vmem_shared>> -> memref<128x128xf32, #tpu.memory_space<vmem_shared>>
        %dma_start3A_63 = arith.constant 0 : i32
        %dma_start3A_64 = arith.constant 0 : i32
        %dma_start3A_65 = tpu.memref_slice %arg9[%run_scoped3A_43, %dma_start3A_63, %dma_start3A_64] : memref<2x128x128xf32, #tpu.memory_space<vmem>> -> memref<1x128x128xf32, #tpu.memory_space<vmem>>
        %dma_start3A_66 = tpu.memref_squeeze %dma_start3A_65 : memref<1x128x128xf32, #tpu.memory_space<vmem>> -> memref<128x128xf32, #tpu.memory_space<vmem>>
        tpu.enqueue_dma source(%dma_start3A_66 : memref<128x128xf32, #tpu.memory_space<vmem>>) target(%dma_start3A_62 : memref<128x128xf32, #tpu.memory_space<vmem_shared>>) target_semaphore(%run_scoped3A_55 : memref<!tpu.dma_semaphore, #tpu.memory_space<semaphore_mem>>)
        %dma_wait3A = arith.constant 0 : i32
        %dma_wait3A_67 = arith.constant 0 : i32
        %dma_wait3A_68 = tpu.memref_slice %arg9[%run_scoped3A_43, %dma_wait3A, %dma_wait3A_67] : memref<2x128x128xf32, #tpu.memory_space<vmem>> -> memref<1x128x128xf32, #tpu.memory_space<vmem>>
        %dma_wait3A_69 = tpu.memref_squeeze %dma_wait3A_68 : memref<1x128x128xf32, #tpu.memory_space<vmem>> -> memref<128x128xf32, #tpu.memory_space<vmem>>
        %dma_wait3A_70 = arith.constant 0 : i32
        %dma_wait3A_71 = tpu.memref_slice %arg6[%add3A_42, %dma_wait3A_70] : memref<10016x128xf32, #tpu.memory_space<vmem_shared>> -> memref<128x128xf32, #tpu.memory_space<vmem_shared>>
        %dma_wait3A_72 = arith.constant 0 : i32
        %dma_wait3A_73 = tpu.memref_slice %arg6[%add3A_42, %dma_wait3A_72] : memref<10016x128xf32, #tpu.memory_space<vmem_shared>> -> memref<128x128xf32, #tpu.memory_space<vmem_shared>>
        %dma_wait3A_74 = arith.constant 0 : i32
        %dma_wait3A_75 = arith.constant 0 : i32
        %dma_wait3A_76 = tpu.memref_slice %arg9[%run_scoped3A_43, %dma_wait3A_74, %dma_wait3A_75] : memref<2x128x128xf32, #tpu.memory_space<vmem>> -> memref<1x128x128xf32, #tpu.memory_space<vmem>>
        %dma_wait3A_77 = tpu.memref_squeeze %dma_wait3A_76 : memref<1x128x128xf32, #tpu.memory_space<vmem>> -> memref<128x128xf32, #tpu.memory_space<vmem>>
        tpu.wait_dma2 semaphore(%run_scoped3A_55 : memref<!tpu.dma_semaphore, #tpu.memory_space<semaphore_mem>>) src(%dma_wait3A_77 : memref<128x128xf32, #tpu.memory_space<vmem>>) dst(%dma_wait3A_73 : memref<128x128xf32, #tpu.memory_space<vmem_shared>>)
        tpu.yield
      }) : () -> ()
      %add3A_44 = arith.constant 256 : i32
      %add3A_45 = arith.addi %multiple_of3A, %add3A_44 : i32
      %run_scoped3A_46 = arith.constant 0 : i32
      "tpu.region"() ({
        %run_scoped3A_55 = tpu.sem_alloc : memref<!tpu.dma_semaphore, #tpu.memory_space<semaphore_mem>>
        %dma_start3A = arith.constant 0 : i32
        %dma_start3A_56 = arith.constant 0 : i32
        %dma_start3A_57 = tpu.memref_slice %arg9[%run_scoped3A_46, %dma_start3A, %dma_start3A_56] : memref<2x128x128xf32, #tpu.memory_space<vmem>> -> memref<1x128x128xf32, #tpu.memory_space<vmem>>
        %dma_start3A_58 = tpu.memref_squeeze %dma_start3A_57 : memref<1x128x128xf32, #tpu.memory_space<vmem>> -> memref<128x128xf32, #tpu.memory_space<vmem>>
        %dma_start3A_59 = arith.constant 0 : i32
        %dma_start3A_60 = tpu.memref_slice %arg6[%add3A_45, %dma_start3A_59] : memref<10016x128xf32, #tpu.memory_space<vmem_shared>> -> memref<128x128xf32, #tpu.memory_space<vmem_shared>>
        %dma_start3A_61 = arith.constant 0 : i32
        %dma_start3A_62 = tpu.memref_slice %arg6[%add3A_45, %dma_start3A_61] : memref<10016x128xf32, #tpu.memory_space<vmem_shared>> -> memref<128x128xf32, #tpu.memory_space<vmem_shared>>
        %dma_start3A_63 = arith.constant 0 : i32
        %dma_start3A_64 = arith.constant 0 : i32
        %dma_start3A_65 = tpu.memref_slice %arg9[%run_scoped3A_46, %dma_start3A_63, %dma_start3A_64] : memref<2x128x128xf32, #tpu.memory_space<vmem>> -> memref<1x128x128xf32, #tpu.memory_space<vmem>>
        %dma_start3A_66 = tpu.memref_squeeze %dma_start3A_65 : memref<1x128x128xf32, #tpu.memory_space<vmem>> -> memref<128x128xf32, #tpu.memory_space<vmem>>
        tpu.enqueue_dma source(%dma_start3A_66 : memref<128x128xf32, #tpu.memory_space<vmem>>) target(%dma_start3A_62 : memref<128x128xf32, #tpu.memory_space<vmem_shared>>) target_semaphore(%run_scoped3A_55 : memref<!tpu.dma_semaphore, #tpu.memory_space<semaphore_mem>>)
        %dma_wait3A = arith.constant 0 : i32
        %dma_wait3A_67 = arith.constant 0 : i32
        %dma_wait3A_68 = tpu.memref_slice %arg9[%run_scoped3A_46, %dma_wait3A, %dma_wait3A_67] : memref<2x128x128xf32, #tpu.memory_space<vmem>> -> memref<1x128x128xf32, #tpu.memory_space<vmem>>
        %dma_wait3A_69 = tpu.memref_squeeze %dma_wait3A_68 : memref<1x128x128xf32, #tpu.memory_space<vmem>> -> memref<128x128xf32, #tpu.memory_space<vmem>>
        %dma_wait3A_70 = arith.constant 0 : i32
        %dma_wait3A_71 = tpu.memref_slice %arg6[%add3A_45, %dma_wait3A_70] : memref<10016x128xf32, #tpu.memory_space<vmem_shared>> -> memref<128x128xf32, #tpu.memory_space<vmem_shared>>
        %dma_wait3A_72 = arith.constant 0 : i32
        %dma_wait3A_73 = tpu.memref_slice %arg6[%add3A_45, %dma_wait3A_72] : memref<10016x128xf32, #tpu.memory_space<vmem_shared>> -> memref<128x128xf32, #tpu.memory_space<vmem_shared>>
        %dma_wait3A_74 = arith.constant 0 : i32
        %dma_wait3A_75 = arith.constant 0 : i32
        %dma_wait3A_76 = tpu.memref_slice %arg9[%run_scoped3A_46, %dma_wait3A_74, %dma_wait3A_75] : memref<2x128x128xf32, #tpu.memory_space<vmem>> -> memref<1x128x128xf32, #tpu.memory_space<vmem>>
        %dma_wait3A_77 = tpu.memref_squeeze %dma_wait3A_76 : memref<1x128x128xf32, #tpu.memory_space<vmem>> -> memref<128x128xf32, #tpu.memory_space<vmem>>
        tpu.wait_dma2 semaphore(%run_scoped3A_55 : memref<!tpu.dma_semaphore, #tpu.memory_space<semaphore_mem>>) src(%dma_wait3A_77 : memref<128x128xf32, #tpu.memory_space<vmem>>) dst(%dma_wait3A_73 : memref<128x128xf32, #tpu.memory_space<vmem_shared>>)
        tpu.yield
      }) : () -> ()
      %add3A_47 = arith.constant 384 : i32
      %add3A_48 = arith.addi %multiple_of3A, %add3A_47 : i32
      %run_scoped3A_49 = arith.constant 0 : i32
      "tpu.region"() ({
        %run_scoped3A_55 = tpu.sem_alloc : memref<!tpu.dma_semaphore, #tpu.memory_space<semaphore_mem>>
        %dma_start3A = arith.constant 0 : i32
        %dma_start3A_56 = arith.constant 0 : i32
        %dma_start3A_57 = tpu.memref_slice %arg9[%run_scoped3A_49, %dma_start3A, %dma_start3A_56] : memref<2x128x128xf32, #tpu.memory_space<vmem>> -> memref<1x128x128xf32, #tpu.memory_space<vmem>>
        %dma_start3A_58 = tpu.memref_squeeze %dma_start3A_57 : memref<1x128x128xf32, #tpu.memory_space<vmem>> -> memref<128x128xf32, #tpu.memory_space<vmem>>
        %dma_start3A_59 = arith.constant 0 : i32
        %dma_start3A_60 = tpu.memref_slice %arg6[%add3A_48, %dma_start3A_59] : memref<10016x128xf32, #tpu.memory_space<vmem_shared>> -> memref<128x128xf32, #tpu.memory_space<vmem_shared>>
        %dma_start3A_61 = arith.constant 0 : i32
        %dma_start3A_62 = tpu.memref_slice %arg6[%add3A_48, %dma_start3A_61] : memref<10016x128xf32, #tpu.memory_space<vmem_shared>> -> memref<128x128xf32, #tpu.memory_space<vmem_shared>>
        %dma_start3A_63 = arith.constant 0 : i32
        %dma_start3A_64 = arith.constant 0 : i32
        %dma_start3A_65 = tpu.memref_slice %arg9[%run_scoped3A_49, %dma_start3A_63, %dma_start3A_64] : memref<2x128x128xf32, #tpu.memory_space<vmem>> -> memref<1x128x128xf32, #tpu.memory_space<vmem>>
        %dma_start3A_66 = tpu.memref_squeeze %dma_start3A_65 : memref<1x128x128xf32, #tpu.memory_space<vmem>> -> memref<128x128xf32, #tpu.memory_space<vmem>>
        tpu.enqueue_dma source(%dma_start3A_66 : memref<128x128xf32, #tpu.memory_space<vmem>>) target(%dma_start3A_62 : memref<128x128xf32, #tpu.memory_space<vmem_shared>>) target_semaphore(%run_scoped3A_55 : memref<!tpu.dma_semaphore, #tpu.memory_space<semaphore_mem>>)
        %dma_wait3A = arith.constant 0 : i32
        %dma_wait3A_67 = arith.constant 0 : i32
        %dma_wait3A_68 = tpu.memref_slice %arg9[%run_scoped3A_49, %dma_wait3A, %dma_wait3A_67] : memref<2x128x128xf32, #tpu.memory_space<vmem>> -> memref<1x128x128xf32, #tpu.memory_space<vmem>>
        %dma_wait3A_69 = tpu.memref_squeeze %dma_wait3A_68 : memref<1x128x128xf32, #tpu.memory_space<vmem>> -> memref<128x128xf32, #tpu.memory_space<vmem>>
        %dma_wait3A_70 = arith.constant 0 : i32
        %dma_wait3A_71 = tpu.memref_slice %arg6[%add3A_48, %dma_wait3A_70] : memref<10016x128xf32, #tpu.memory_space<vmem_shared>> -> memref<128x128xf32, #tpu.memory_space<vmem_shared>>
        %dma_wait3A_72 = arith.constant 0 : i32
        %dma_wait3A_73 = tpu.memref_slice %arg6[%add3A_48, %dma_wait3A_72] : memref<10016x128xf32, #tpu.memory_space<vmem_shared>> -> memref<128x128xf32, #tpu.memory_space<vmem_shared>>
        %dma_wait3A_74 = arith.constant 0 : i32
        %dma_wait3A_75 = arith.constant 0 : i32
        %dma_wait3A_76 = tpu.memref_slice %arg9[%run_scoped3A_49, %dma_wait3A_74, %dma_wait3A_75] : memref<2x128x128xf32, #tpu.memory_space<vmem>> -> memref<1x128x128xf32, #tpu.memory_space<vmem>>
        %dma_wait3A_77 = tpu.memref_squeeze %dma_wait3A_76 : memref<1x128x128xf32, #tpu.memory_space<vmem>> -> memref<128x128xf32, #tpu.memory_space<vmem>>
        tpu.wait_dma2 semaphore(%run_scoped3A_55 : memref<!tpu.dma_semaphore, #tpu.memory_space<semaphore_mem>>) src(%dma_wait3A_77 : memref<128x128xf32, #tpu.memory_space<vmem>>) dst(%dma_wait3A_73 : memref<128x128xf32, #tpu.memory_space<vmem_shared>>)
        tpu.yield
      }) : () -> ()
      %add3A_50 = arith.constant 624 : i32
      %add3A_51 = arith.addi %multiple_of3A, %add3A_50 : i32
      %sub3A_52 = arith.constant 112 : i32
      %sub3A_53 = arith.subi %add3A_51, %sub3A_52 : i32
      %run_scoped3A_54 = arith.constant 0 : i32
      "tpu.region"() ({
        %run_scoped3A_55 = tpu.sem_alloc : memref<!tpu.dma_semaphore, #tpu.memory_space<semaphore_mem>>
        %dma_start3A = arith.constant 0 : i32
        %dma_start3A_56 = arith.constant 0 : i32
        %dma_start3A_57 = tpu.memref_slice %arg9[%run_scoped3A_54, %dma_start3A, %dma_start3A_56] : memref<2x128x128xf32, #tpu.memory_space<vmem>> -> memref<1x128x128xf32, #tpu.memory_space<vmem>>
        %dma_start3A_58 = tpu.memref_squeeze %dma_start3A_57 : memref<1x128x128xf32, #tpu.memory_space<vmem>> -> memref<128x128xf32, #tpu.memory_space<vmem>>
        %dma_start3A_59 = arith.constant 0 : i32
        %dma_start3A_60 = arith.constant 0 : i32
        %dma_start3A_61 = tpu.memref_slice %dma_start3A_58[%dma_start3A_59, %dma_start3A_60] : memref<128x128xf32, #tpu.memory_space<vmem>> -> memref<112x128xf32, #tpu.memory_space<vmem>>
        %dma_start3A_62 = arith.constant 0 : i32
        %dma_start3A_63 = tpu.memref_slice %arg6[%sub3A_53, %dma_start3A_62] : memref<10016x128xf32, #tpu.memory_space<vmem_shared>> -> memref<112x128xf32, #tpu.memory_space<vmem_shared>>
        %dma_start3A_64 = arith.constant 0 : i32
        %dma_start3A_65 = tpu.memref_slice %arg6[%sub3A_53, %dma_start3A_64] : memref<10016x128xf32, #tpu.memory_space<vmem_shared>> -> memref<112x128xf32, #tpu.memory_space<vmem_shared>>
        %dma_start3A_66 = arith.constant 0 : i32
        %dma_start3A_67 = arith.constant 0 : i32
        %dma_start3A_68 = tpu.memref_slice %arg9[%run_scoped3A_54, %dma_start3A_66, %dma_start3A_67] : memref<2x128x128xf32, #tpu.memory_space<vmem>> -> memref<1x128x128xf32, #tpu.memory_space<vmem>>
        %dma_start3A_69 = tpu.memref_squeeze %dma_start3A_68 : memref<1x128x128xf32, #tpu.memory_space<vmem>> -> memref<128x128xf32, #tpu.memory_space<vmem>>
        %dma_start3A_70 = arith.constant 0 : i32
        %dma_start3A_71 = arith.constant 0 : i32
        %dma_start3A_72 = tpu.memref_slice %dma_start3A_69[%dma_start3A_70, %dma_start3A_71] : memref<128x128xf32, #tpu.memory_space<vmem>> -> memref<112x128xf32, #tpu.memory_space<vmem>>
        tpu.enqueue_dma source(%dma_start3A_72 : memref<112x128xf32, #tpu.memory_space<vmem>>) target(%dma_start3A_65 : memref<112x128xf32, #tpu.memory_space<vmem_shared>>) target_semaphore(%run_scoped3A_55 : memref<!tpu.dma_semaphore, #tpu.memory_space<semaphore_mem>>)
        %dma_wait3A = arith.constant 0 : i32
        %dma_wait3A_73 = arith.constant 0 : i32
        %dma_wait3A_74 = tpu.memref_slice %arg9[%run_scoped3A_54, %dma_wait3A, %dma_wait3A_73] : memref<2x128x128xf32, #tpu.memory_space<vmem>> -> memref<1x128x128xf32, #tpu.memory_space<vmem>>
        %dma_wait3A_75 = tpu.memref_squeeze %dma_wait3A_74 : memref<1x128x128xf32, #tpu.memory_space<vmem>> -> memref<128x128xf32, #tpu.memory_space<vmem>>
        %dma_wait3A_76 = arith.constant 0 : i32
        %dma_wait3A_77 = arith.constant 0 : i32
        %dma_wait3A_78 = tpu.memref_slice %dma_wait3A_75[%dma_wait3A_76, %dma_wait3A_77] : memref<128x128xf32, #tpu.memory_space<vmem>> -> memref<112x128xf32, #tpu.memory_space<vmem>>
        %dma_wait3A_79 = arith.constant 0 : i32
        %dma_wait3A_80 = tpu.memref_slice %arg6[%sub3A_53, %dma_wait3A_79] : memref<10016x128xf32, #tpu.memory_space<vmem_shared>> -> memref<112x128xf32, #tpu.memory_space<vmem_shared>>
        %dma_wait3A_81 = arith.constant 0 : i32
        %dma_wait3A_82 = tpu.memref_slice %arg6[%sub3A_53, %dma_wait3A_81] : memref<10016x128xf32, #tpu.memory_space<vmem_shared>> -> memref<112x128xf32, #tpu.memory_space<vmem_shared>>
        %dma_wait3A_83 = arith.constant 0 : i32
        %dma_wait3A_84 = arith.constant 0 : i32
        %dma_wait3A_85 = tpu.memref_slice %arg9[%run_scoped3A_54, %dma_wait3A_83, %dma_wait3A_84] : memref<2x128x128xf32, #tpu.memory_space<vmem>> -> memref<1x128x128xf32, #tpu.memory_space<vmem>>
        %dma_wait3A_86 = tpu.memref_squeeze %dma_wait3A_85 : memref<1x128x128xf32, #tpu.memory_space<vmem>> -> memref<128x128xf32, #tpu.memory_space<vmem>>
        %dma_wait3A_87 = arith.constant 0 : i32
        %dma_wait3A_88 = arith.constant 0 : i32
        %dma_wait3A_89 = tpu.memref_slice %dma_wait3A_86[%dma_wait3A_87, %dma_wait3A_88] : memref<128x128xf32, #tpu.memory_space<vmem>> -> memref<112x128xf32, #tpu.memory_space<vmem>>
        tpu.wait_dma2 semaphore(%run_scoped3A_55 : memref<!tpu.dma_semaphore, #tpu.memory_space<semaphore_mem>>) src(%dma_wait3A_89 : memref<112x128xf32, #tpu.memory_space<vmem>>) dst(%dma_wait3A_82 : memref<112x128xf32, #tpu.memory_space<vmem_shared>>)
        tpu.yield
      }) : () -> ()
    } else {
    }
    %eq3A = arith.constant 15 : i32
    %eq3A_13 = arith.cmpi eq, %arg1, %eq3A : i32
    %convert_element_type3A_14 = arith.extui %eq3A_13 : i1 to i32
    %cond3A_15 = arith.constant 0 : i32
    %cond3A_16 = arith.cmpi ne, %convert_element_type3A_14, %cond3A_15 : i32
    scf.if %cond3A_16 {
      %add3A_39 = arith.constant 0 : i32
      %add3A_40 = arith.addi %multiple_of3A, %add3A_39 : i32
      %run_scoped3A = arith.constant 0 : i32
      "tpu.region"() ({
        %run_scoped3A_53 = tpu.sem_alloc : memref<!tpu.dma_semaphore, #tpu.memory_space<semaphore_mem>>
        %dma_start3A = arith.constant 0 : i32
        %dma_start3A_54 = arith.constant 0 : i32
        %dma_start3A_55 = tpu.memref_slice %arg9[%run_scoped3A, %dma_start3A, %dma_start3A_54] : memref<2x128x128xf32, #tpu.memory_space<vmem>> -> memref<1x128x128xf32, #tpu.memory_space<vmem>>
        %dma_start3A_56 = tpu.memref_squeeze %dma_start3A_55 : memref<1x128x128xf32, #tpu.memory_space<vmem>> -> memref<128x128xf32, #tpu.memory_space<vmem>>
        %dma_start3A_57 = arith.constant 0 : i32
        %dma_start3A_58 = tpu.memref_slice %arg6[%add3A_40, %dma_start3A_57] : memref<10016x128xf32, #tpu.memory_space<vmem_shared>> -> memref<128x128xf32, #tpu.memory_space<vmem_shared>>
        %dma_start3A_59 = arith.constant 0 : i32
        %dma_start3A_60 = tpu.memref_slice %arg6[%add3A_40, %dma_start3A_59] : memref<10016x128xf32, #tpu.memory_space<vmem_shared>> -> memref<128x128xf32, #tpu.memory_space<vmem_shared>>
        %dma_start3A_61 = arith.constant 0 : i32
        %dma_start3A_62 = arith.constant 0 : i32
        %dma_start3A_63 = tpu.memref_slice %arg9[%run_scoped3A, %dma_start3A_61, %dma_start3A_62] : memref<2x128x128xf32, #tpu.memory_space<vmem>> -> memref<1x128x128xf32, #tpu.memory_space<vmem>>
        %dma_start3A_64 = tpu.memref_squeeze %dma_start3A_63 : memref<1x128x128xf32, #tpu.memory_space<vmem>> -> memref<128x128xf32, #tpu.memory_space<vmem>>
        tpu.enqueue_dma source(%dma_start3A_64 : memref<128x128xf32, #tpu.memory_space<vmem>>) target(%dma_start3A_60 : memref<128x128xf32, #tpu.memory_space<vmem_shared>>) target_semaphore(%run_scoped3A_53 : memref<!tpu.dma_semaphore, #tpu.memory_space<semaphore_mem>>)
        %dma_wait3A = arith.constant 0 : i32
        %dma_wait3A_65 = arith.constant 0 : i32
        %dma_wait3A_66 = tpu.memref_slice %arg9[%run_scoped3A, %dma_wait3A, %dma_wait3A_65] : memref<2x128x128xf32, #tpu.memory_space<vmem>> -> memref<1x128x128xf32, #tpu.memory_space<vmem>>
        %dma_wait3A_67 = tpu.memref_squeeze %dma_wait3A_66 : memref<1x128x128xf32, #tpu.memory_space<vmem>> -> memref<128x128xf32, #tpu.memory_space<vmem>>
        %dma_wait3A_68 = arith.constant 0 : i32
        %dma_wait3A_69 = tpu.memref_slice %arg6[%add3A_40, %dma_wait3A_68] : memref<10016x128xf32, #tpu.memory_space<vmem_shared>> -> memref<128x128xf32, #tpu.memory_space<vmem_shared>>
        %dma_wait3A_70 = arith.constant 0 : i32
        %dma_wait3A_71 = tpu.memref_slice %arg6[%add3A_40, %dma_wait3A_70] : memref<10016x128xf32, #tpu.memory_space<vmem_shared>> -> memref<128x128xf32, #tpu.memory_space<vmem_shared>>
        %dma_wait3A_72 = arith.constant 0 : i32
        %dma_wait3A_73 = arith.constant 0 : i32
        %dma_wait3A_74 = tpu.memref_slice %arg9[%run_scoped3A, %dma_wait3A_72, %dma_wait3A_73] : memref<2x128x128xf32, #tpu.memory_space<vmem>> -> memref<1x128x128xf32, #tpu.memory_space<vmem>>
        %dma_wait3A_75 = tpu.memref_squeeze %dma_wait3A_74 : memref<1x128x128xf32, #tpu.memory_space<vmem>> -> memref<128x128xf32, #tpu.memory_space<vmem>>
        tpu.wait_dma2 semaphore(%run_scoped3A_53 : memref<!tpu.dma_semaphore, #tpu.memory_space<semaphore_mem>>) src(%dma_wait3A_75 : memref<128x128xf32, #tpu.memory_space<vmem>>) dst(%dma_wait3A_71 : memref<128x128xf32, #tpu.memory_space<vmem_shared>>)
        tpu.yield
      }) : () -> ()
      %add3A_41 = arith.constant 128 : i32
      %add3A_42 = arith.addi %multiple_of3A, %add3A_41 : i32
      %run_scoped3A_43 = arith.constant 0 : i32
      "tpu.region"() ({
        %run_scoped3A_53 = tpu.sem_alloc : memref<!tpu.dma_semaphore, #tpu.memory_space<semaphore_mem>>
        %dma_start3A = arith.constant 0 : i32
        %dma_start3A_54 = arith.constant 0 : i32
        %dma_start3A_55 = tpu.memref_slice %arg9[%run_scoped3A_43, %dma_start3A, %dma_start3A_54] : memref<2x128x128xf32, #tpu.memory_space<vmem>> -> memref<1x128x128xf32, #tpu.memory_space<vmem>>
        %dma_start3A_56 = tpu.memref_squeeze %dma_start3A_55 : memref<1x128x128xf32, #tpu.memory_space<vmem>> -> memref<128x128xf32, #tpu.memory_space<vmem>>
        %dma_start3A_57 = arith.constant 0 : i32
        %dma_start3A_58 = tpu.memref_slice %arg6[%add3A_42, %dma_start3A_57] : memref<10016x128xf32, #tpu.memory_space<vmem_shared>> -> memref<128x128xf32, #tpu.memory_space<vmem_shared>>
        %dma_start3A_59 = arith.constant 0 : i32
        %dma_start3A_60 = tpu.memref_slice %arg6[%add3A_42, %dma_start3A_59] : memref<10016x128xf32, #tpu.memory_space<vmem_shared>> -> memref<128x128xf32, #tpu.memory_space<vmem_shared>>
        %dma_start3A_61 = arith.constant 0 : i32
        %dma_start3A_62 = arith.constant 0 : i32
        %dma_start3A_63 = tpu.memref_slice %arg9[%run_scoped3A_43, %dma_start3A_61, %dma_start3A_62] : memref<2x128x128xf32, #tpu.memory_space<vmem>> -> memref<1x128x128xf32, #tpu.memory_space<vmem>>
        %dma_start3A_64 = tpu.memref_squeeze %dma_start3A_63 : memref<1x128x128xf32, #tpu.memory_space<vmem>> -> memref<128x128xf32, #tpu.memory_space<vmem>>
        tpu.enqueue_dma source(%dma_start3A_64 : memref<128x128xf32, #tpu.memory_space<vmem>>) target(%dma_start3A_60 : memref<128x128xf32, #tpu.memory_space<vmem_shared>>) target_semaphore(%run_scoped3A_53 : memref<!tpu.dma_semaphore, #tpu.memory_space<semaphore_mem>>)
        %dma_wait3A = arith.constant 0 : i32
        %dma_wait3A_65 = arith.constant 0 : i32
        %dma_wait3A_66 = tpu.memref_slice %arg9[%run_scoped3A_43, %dma_wait3A, %dma_wait3A_65] : memref<2x128x128xf32, #tpu.memory_space<vmem>> -> memref<1x128x128xf32, #tpu.memory_space<vmem>>
        %dma_wait3A_67 = tpu.memref_squeeze %dma_wait3A_66 : memref<1x128x128xf32, #tpu.memory_space<vmem>> -> memref<128x128xf32, #tpu.memory_space<vmem>>
        %dma_wait3A_68 = arith.constant 0 : i32
        %dma_wait3A_69 = tpu.memref_slice %arg6[%add3A_42, %dma_wait3A_68] : memref<10016x128xf32, #tpu.memory_space<vmem_shared>> -> memref<128x128xf32, #tpu.memory_space<vmem_shared>>
        %dma_wait3A_70 = arith.constant 0 : i32
        %dma_wait3A_71 = tpu.memref_slice %arg6[%add3A_42, %dma_wait3A_70] : memref<10016x128xf32, #tpu.memory_space<vmem_shared>> -> memref<128x128xf32, #tpu.memory_space<vmem_shared>>
        %dma_wait3A_72 = arith.constant 0 : i32
        %dma_wait3A_73 = arith.constant 0 : i32
        %dma_wait3A_74 = tpu.memref_slice %arg9[%run_scoped3A_43, %dma_wait3A_72, %dma_wait3A_73] : memref<2x128x128xf32, #tpu.memory_space<vmem>> -> memref<1x128x128xf32, #tpu.memory_space<vmem>>
        %dma_wait3A_75 = tpu.memref_squeeze %dma_wait3A_74 : memref<1x128x128xf32, #tpu.memory_space<vmem>> -> memref<128x128xf32, #tpu.memory_space<vmem>>
        tpu.wait_dma2 semaphore(%run_scoped3A_53 : memref<!tpu.dma_semaphore, #tpu.memory_space<semaphore_mem>>) src(%dma_wait3A_75 : memref<128x128xf32, #tpu.memory_space<vmem>>) dst(%dma_wait3A_71 : memref<128x128xf32, #tpu.memory_space<vmem_shared>>)
        tpu.yield
      }) : () -> ()
      %add3A_44 = arith.constant 256 : i32
      %add3A_45 = arith.addi %multiple_of3A, %add3A_44 : i32
      %run_scoped3A_46 = arith.constant 0 : i32
      "tpu.region"() ({
        %run_scoped3A_53 = tpu.sem_alloc : memref<!tpu.dma_semaphore, #tpu.memory_space<semaphore_mem>>
        %dma_start3A = arith.constant 0 : i32
        %dma_start3A_54 = arith.constant 0 : i32
        %dma_start3A_55 = tpu.memref_slice %arg9[%run_scoped3A_46, %dma_start3A, %dma_start3A_54] : memref<2x128x128xf32, #tpu.memory_space<vmem>> -> memref<1x128x128xf32, #tpu.memory_space<vmem>>
        %dma_start3A_56 = tpu.memref_squeeze %dma_start3A_55 : memref<1x128x128xf32, #tpu.memory_space<vmem>> -> memref<128x128xf32, #tpu.memory_space<vmem>>
        %dma_start3A_57 = arith.constant 0 : i32
        %dma_start3A_58 = tpu.memref_slice %arg6[%add3A_45, %dma_start3A_57] : memref<10016x128xf32, #tpu.memory_space<vmem_shared>> -> memref<128x128xf32, #tpu.memory_space<vmem_shared>>
        %dma_start3A_59 = arith.constant 0 : i32
        %dma_start3A_60 = tpu.memref_slice %arg6[%add3A_45, %dma_start3A_59] : memref<10016x128xf32, #tpu.memory_space<vmem_shared>> -> memref<128x128xf32, #tpu.memory_space<vmem_shared>>
        %dma_start3A_61 = arith.constant 0 : i32
        %dma_start3A_62 = arith.constant 0 : i32
        %dma_start3A_63 = tpu.memref_slice %arg9[%run_scoped3A_46, %dma_start3A_61, %dma_start3A_62] : memref<2x128x128xf32, #tpu.memory_space<vmem>> -> memref<1x128x128xf32, #tpu.memory_space<vmem>>
        %dma_start3A_64 = tpu.memref_squeeze %dma_start3A_63 : memref<1x128x128xf32, #tpu.memory_space<vmem>> -> memref<128x128xf32, #tpu.memory_space<vmem>>
        tpu.enqueue_dma source(%dma_start3A_64 : memref<128x128xf32, #tpu.memory_space<vmem>>) target(%dma_start3A_60 : memref<128x128xf32, #tpu.memory_space<vmem_shared>>) target_semaphore(%run_scoped3A_53 : memref<!tpu.dma_semaphore, #tpu.memory_space<semaphore_mem>>)
        %dma_wait3A = arith.constant 0 : i32
        %dma_wait3A_65 = arith.constant 0 : i32
        %dma_wait3A_66 = tpu.memref_slice %arg9[%run_scoped3A_46, %dma_wait3A, %dma_wait3A_65] : memref<2x128x128xf32, #tpu.memory_space<vmem>> -> memref<1x128x128xf32, #tpu.memory_space<vmem>>
        %dma_wait3A_67 = tpu.memref_squeeze %dma_wait3A_66 : memref<1x128x128xf32, #tpu.memory_space<vmem>> -> memref<128x128xf32, #tpu.memory_space<vmem>>
        %dma_wait3A_68 = arith.constant 0 : i32
        %dma_wait3A_69 = tpu.memref_slice %arg6[%add3A_45, %dma_wait3A_68] : memref<10016x128xf32, #tpu.memory_space<vmem_shared>> -> memref<128x128xf32, #tpu.memory_space<vmem_shared>>
        %dma_wait3A_70 = arith.constant 0 : i32
        %dma_wait3A_71 = tpu.memref_slice %arg6[%add3A_45, %dma_wait3A_70] : memref<10016x128xf32, #tpu.memory_space<vmem_shared>> -> memref<128x128xf32, #tpu.memory_space<vmem_shared>>
        %dma_wait3A_72 = arith.constant 0 : i32
        %dma_wait3A_73 = arith.constant 0 : i32
        %dma_wait3A_74 = tpu.memref_slice %arg9[%run_scoped3A_46, %dma_wait3A_72, %dma_wait3A_73] : memref<2x128x128xf32, #tpu.memory_space<vmem>> -> memref<1x128x128xf32, #tpu.memory_space<vmem>>
        %dma_wait3A_75 = tpu.memref_squeeze %dma_wait3A_74 : memref<1x128x128xf32, #tpu.memory_space<vmem>> -> memref<128x128xf32, #tpu.memory_space<vmem>>
        tpu.wait_dma2 semaphore(%run_scoped3A_53 : memref<!tpu.dma_semaphore, #tpu.memory_space<semaphore_mem>>) src(%dma_wait3A_75 : memref<128x128xf32, #tpu.memory_space<vmem>>) dst(%dma_wait3A_71 : memref<128x128xf32, #tpu.memory_space<vmem_shared>>)
        tpu.yield
      }) : () -> ()
      %add3A_47 = arith.constant 384 : i32
      %add3A_48 = arith.addi %multiple_of3A, %add3A_47 : i32
      %run_scoped3A_49 = arith.constant 0 : i32
      "tpu.region"() ({
        %run_scoped3A_53 = tpu.sem_alloc : memref<!tpu.dma_semaphore, #tpu.memory_space<semaphore_mem>>
        %dma_start3A = arith.constant 0 : i32
        %dma_start3A_54 = arith.constant 0 : i32
        %dma_start3A_55 = tpu.memref_slice %arg9[%run_scoped3A_49, %dma_start3A, %dma_start3A_54] : memref<2x128x128xf32, #tpu.memory_space<vmem>> -> memref<1x128x128xf32, #tpu.memory_space<vmem>>
        %dma_start3A_56 = tpu.memref_squeeze %dma_start3A_55 : memref<1x128x128xf32, #tpu.memory_space<vmem>> -> memref<128x128xf32, #tpu.memory_space<vmem>>
        %dma_start3A_57 = arith.constant 0 : i32
        %dma_start3A_58 = tpu.memref_slice %arg6[%add3A_48, %dma_start3A_57] : memref<10016x128xf32, #tpu.memory_space<vmem_shared>> -> memref<128x128xf32, #tpu.memory_space<vmem_shared>>
        %dma_start3A_59 = arith.constant 0 : i32
        %dma_start3A_60 = tpu.memref_slice %arg6[%add3A_48, %dma_start3A_59] : memref<10016x128xf32, #tpu.memory_space<vmem_shared>> -> memref<128x128xf32, #tpu.memory_space<vmem_shared>>
        %dma_start3A_61 = arith.constant 0 : i32
        %dma_start3A_62 = arith.constant 0 : i32
        %dma_start3A_63 = tpu.memref_slice %arg9[%run_scoped3A_49, %dma_start3A_61, %dma_start3A_62] : memref<2x128x128xf32, #tpu.memory_space<vmem>> -> memref<1x128x128xf32, #tpu.memory_space<vmem>>
        %dma_start3A_64 = tpu.memref_squeeze %dma_start3A_63 : memref<1x128x128xf32, #tpu.memory_space<vmem>> -> memref<128x128xf32, #tpu.memory_space<vmem>>
        tpu.enqueue_dma source(%dma_start3A_64 : memref<128x128xf32, #tpu.memory_space<vmem>>) target(%dma_start3A_60 : memref<128x128xf32, #tpu.memory_space<vmem_shared>>) target_semaphore(%run_scoped3A_53 : memref<!tpu.dma_semaphore, #tpu.memory_space<semaphore_mem>>)
        %dma_wait3A = arith.constant 0 : i32
        %dma_wait3A_65 = arith.constant 0 : i32
        %dma_wait3A_66 = tpu.memref_slice %arg9[%run_scoped3A_49, %dma_wait3A, %dma_wait3A_65] : memref<2x128x128xf32, #tpu.memory_space<vmem>> -> memref<1x128x128xf32, #tpu.memory_space<vmem>>
        %dma_wait3A_67 = tpu.memref_squeeze %dma_wait3A_66 : memref<1x128x128xf32, #tpu.memory_space<vmem>> -> memref<128x128xf32, #tpu.memory_space<vmem>>
        %dma_wait3A_68 = arith.constant 0 : i32
        %dma_wait3A_69 = tpu.memref_slice %arg6[%add3A_48, %dma_wait3A_68] : memref<10016x128xf32, #tpu.memory_space<vmem_shared>> -> memref<128x128xf32, #tpu.memory_space<vmem_shared>>
        %dma_wait3A_70 = arith.constant 0 : i32
        %dma_wait3A_71 = tpu.memref_slice %arg6[%add3A_48, %dma_wait3A_70] : memref<10016x128xf32, #tpu.memory_space<vmem_shared>> -> memref<128x128xf32, #tpu.memory_space<vmem_shared>>
        %dma_wait3A_72 = arith.constant 0 : i32
        %dma_wait3A_73 = arith.constant 0 : i32
        %dma_wait3A_74 = tpu.memref_slice %arg9[%run_scoped3A_49, %dma_wait3A_72, %dma_wait3A_73] : memref<2x128x128xf32, #tpu.memory_space<vmem>> -> memref<1x128x128xf32, #tpu.memory_space<vmem>>
        %dma_wait3A_75 = tpu.memref_squeeze %dma_wait3A_74 : memref<1x128x128xf32, #tpu.memory_space<vmem>> -> memref<128x128xf32, #tpu.memory_space<vmem>>
        tpu.wait_dma2 semaphore(%run_scoped3A_53 : memref<!tpu.dma_semaphore, #tpu.memory_space<semaphore_mem>>) src(%dma_wait3A_75 : memref<128x128xf32, #tpu.memory_space<vmem>>) dst(%dma_wait3A_71 : memref<128x128xf32, #tpu.memory_space<vmem_shared>>)
        tpu.yield
      }) : () -> ()
      %add3A_50 = arith.constant 512 : i32
      %add3A_51 = arith.addi %multiple_of3A, %add3A_50 : i32
      %run_scoped3A_52 = arith.constant 0 : i32
      "tpu.region"() ({
        %run_scoped3A_53 = tpu.sem_alloc : memref<!tpu.dma_semaphore, #tpu.memory_space<semaphore_mem>>
        %dma_start3A = arith.constant 0 : i32
        %dma_start3A_54 = arith.constant 0 : i32
        %dma_start3A_55 = tpu.memref_slice %arg9[%run_scoped3A_52, %dma_start3A, %dma_start3A_54] : memref<2x128x128xf32, #tpu.memory_space<vmem>> -> memref<1x128x128xf32, #tpu.memory_space<vmem>>
        %dma_start3A_56 = tpu.memref_squeeze %dma_start3A_55 : memref<1x128x128xf32, #tpu.memory_space<vmem>> -> memref<128x128xf32, #tpu.memory_space<vmem>>
        %dma_start3A_57 = arith.constant 0 : i32
        %dma_start3A_58 = tpu.memref_slice %arg6[%add3A_51, %dma_start3A_57] : memref<10016x128xf32, #tpu.memory_space<vmem_shared>> -> memref<128x128xf32, #tpu.memory_space<vmem_shared>>
        %dma_start3A_59 = arith.constant 0 : i32
        %dma_start3A_60 = tpu.memref_slice %arg6[%add3A_51, %dma_start3A_59] : memref<10016x128xf32, #tpu.memory_space<vmem_shared>> -> memref<128x128xf32, #tpu.memory_space<vmem_shared>>
        %dma_start3A_61 = arith.constant 0 : i32
        %dma_start3A_62 = arith.constant 0 : i32
        %dma_start3A_63 = tpu.memref_slice %arg9[%run_scoped3A_52, %dma_start3A_61, %dma_start3A_62] : memref<2x128x128xf32, #tpu.memory_space<vmem>> -> memref<1x128x128xf32, #tpu.memory_space<vmem>>
        %dma_start3A_64 = tpu.memref_squeeze %dma_start3A_63 : memref<1x128x128xf32, #tpu.memory_space<vmem>> -> memref<128x128xf32, #tpu.memory_space<vmem>>
        tpu.enqueue_dma source(%dma_start3A_64 : memref<128x128xf32, #tpu.memory_space<vmem>>) target(%dma_start3A_60 : memref<128x128xf32, #tpu.memory_space<vmem_shared>>) target_semaphore(%run_scoped3A_53 : memref<!tpu.dma_semaphore, #tpu.memory_space<semaphore_mem>>)
        %dma_wait3A = arith.constant 0 : i32
        %dma_wait3A_65 = arith.constant 0 : i32
        %dma_wait3A_66 = tpu.memref_slice %arg9[%run_scoped3A_52, %dma_wait3A, %dma_wait3A_65] : memref<2x128x128xf32, #tpu.memory_space<vmem>> -> memref<1x128x128xf32, #tpu.memory_space<vmem>>
        %dma_wait3A_67 = tpu.memref_squeeze %dma_wait3A_66 : memref<1x128x128xf32, #tpu.memory_space<vmem>> -> memref<128x128xf32, #tpu.memory_space<vmem>>
        %dma_wait3A_68 = arith.constant 0 : i32
        %dma_wait3A_69 = tpu.memref_slice %arg6[%add3A_51, %dma_wait3A_68] : memref<10016x128xf32, #tpu.memory_space<vmem_shared>> -> memref<128x128xf32, #tpu.memory_space<vmem_shared>>
        %dma_wait3A_70 = arith.constant 0 : i32
        %dma_wait3A_71 = tpu.memref_slice %arg6[%add3A_51, %dma_wait3A_70] : memref<10016x128xf32, #tpu.memory_space<vmem_shared>> -> memref<128x128xf32, #tpu.memory_space<vmem_shared>>
        %dma_wait3A_72 = arith.constant 0 : i32
        %dma_wait3A_73 = arith.constant 0 : i32
        %dma_wait3A_74 = tpu.memref_slice %arg9[%run_scoped3A_52, %dma_wait3A_72, %dma_wait3A_73] : memref<2x128x128xf32, #tpu.memory_space<vmem>> -> memref<1x128x128xf32, #tpu.memory_space<vmem>>
        %dma_wait3A_75 = tpu.memref_squeeze %dma_wait3A_74 : memref<1x128x128xf32, #tpu.memory_space<vmem>> -> memref<128x128xf32, #tpu.memory_space<vmem>>
        tpu.wait_dma2 semaphore(%run_scoped3A_53 : memref<!tpu.dma_semaphore, #tpu.memory_space<semaphore_mem>>) src(%dma_wait3A_75 : memref<128x128xf32, #tpu.memory_space<vmem>>) dst(%dma_wait3A_71 : memref<128x128xf32, #tpu.memory_space<vmem_shared>>)
        tpu.yield
      }) : () -> ()
    } else {
    }
    %barrier3A = arith.constant 0 : index
    tpu.barrier barrier_id(%barrier3A)
    %mul3A_17 = arith.constant 40 : i32
    %mul3A_18 = arith.muli %add3A, %mul3A_17 : i32
    %sub3A = arith.constant 1249 : i32
    %sub3A_19 = arith.subi %sub3A, %mul3A_18 : i32
    %add3A_20 = arith.constant 1 : i32
    %add3A_21 = arith.addi %add3A_20, %sub3A_19 : i32
    %scan3A_22 = arith.constant 0 : i32
    %scan3A_23 = arith.constant 0 : i32
    %scan3A_24 = arith.constant 20 : i32
    %scan3A_25 = arith.addi %scan3A_23, %scan3A_24 : i32
    %scan3A_26 = arith.constant 1 : i32
    scf.for %scan3A_39 = %scan3A_23 to %scan3A_25 step %scan3A_26  : i32 {
      %mul3A_40 = arith.constant 2 : i32
      %mul3A_41 = arith.muli %mul3A_40, %scan3A_39 : i32
      %lt3A_42 = arith.cmpi slt, %mul3A_41, %add3A_21 : i32
      %convert_element_type3A_43 = arith.extui %lt3A_42 : i1 to i32
      %cond3A_44 = arith.constant 0 : i32
      %cond3A_45 = arith.cmpi ne, %convert_element_type3A_43, %cond3A_44 : i32
      scf.if %cond3A_45 {
        %dma_start3A = arith.constant 0 : i32
        %dma_start3A_46 = arith.constant 0 : i32
        %dma_start3A_47 = arith.constant 0 : i32
        %dma_start3A_48 = tpu.memref_slice %arg9[%dma_start3A, %dma_start3A_46, %dma_start3A_47] : memref<2x128x128xf32, #tpu.memory_space<vmem>> -> memref<1x128x128xf32, #tpu.memory_space<vmem>>
        %dma_start3A_49 = tpu.memref_squeeze %dma_start3A_48 : memref<1x128x128xf32, #tpu.memory_space<vmem>> -> memref<128x128xf32, #tpu.memory_space<vmem>>
        %dma_start3A_50 = arith.constant 0 : i32
        %dma_start3A_51 = tpu.memref_slice %arg7[%mul3A_41, %dma_start3A_50] : memref<40x128xi32, #tpu.memory_space<vmem>> -> memref<1x128xi32, #tpu.memory_space<vmem>>
        %dma_start3A_52 = tpu.memref_squeeze %dma_start3A_51 : memref<1x128xi32, #tpu.memory_space<vmem>> -> memref<128xi32, #tpu.memory_space<vmem>>
        %dma_start3A_53 = arith.constant 0 : i32
        %dma_start3A_54 = arith.constant 0 : i32
        %dma_start3A_55 = tpu.memref_slice %arg2[%dma_start3A_53, %dma_start3A_54] : memref<10000x128xf32, #tpu.memory_space<hbm>> -> memref<10000x128xf32, #tpu.memory_space<hbm>>
        tpu.enqueue_indirect_dma source(%dma_start3A_55 : memref<10000x128xf32, #tpu.memory_space<hbm>>) target(%dma_start3A_49 : memref<128x128xf32, #tpu.memory_space<vmem>>) offsets(%dma_start3A_52 : memref<128xi32, #tpu.memory_space<vmem>>) semaphore(%arg10 : memref<!tpu.dma_semaphore, #tpu.memory_space<semaphore_mem>>)
        %add3A_56 = arith.constant 1 : i32
        %add3A_57 = arith.addi %mul3A_41, %add3A_56 : i32
        %dma_start3A_58 = arith.constant 1 : i32
        %dma_start3A_59 = arith.constant 0 : i32
        %dma_start3A_60 = arith.constant 0 : i32
        %dma_start3A_61 = tpu.memref_slice %arg9[%dma_start3A_58, %dma_start3A_59, %dma_start3A_60] : memref<2x128x128xf32, #tpu.memory_space<vmem>> -> memref<1x128x128xf32, #tpu.memory_space<vmem>>
        %dma_start3A_62 = tpu.memref_squeeze %dma_start3A_61 : memref<1x128x128xf32, #tpu.memory_space<vmem>> -> memref<128x128xf32, #tpu.memory_space<vmem>>
        %dma_start3A_63 = arith.constant 0 : i32
        %dma_start3A_64 = tpu.memref_slice %arg7[%add3A_57, %dma_start3A_63] : memref<40x128xi32, #tpu.memory_space<vmem>> -> memref<1x128xi32, #tpu.memory_space<vmem>>
        %dma_start3A_65 = tpu.memref_squeeze %dma_start3A_64 : memref<1x128xi32, #tpu.memory_space<vmem>> -> memref<128xi32, #tpu.memory_space<vmem>>
        %dma_start3A_66 = arith.constant 0 : i32
        %dma_start3A_67 = arith.constant 0 : i32
        %dma_start3A_68 = tpu.memref_slice %arg2[%dma_start3A_66, %dma_start3A_67] : memref<10000x128xf32, #tpu.memory_space<hbm>> -> memref<10000x128xf32, #tpu.memory_space<hbm>>
        tpu.enqueue_indirect_dma source(%dma_start3A_68 : memref<10000x128xf32, #tpu.memory_space<hbm>>) target(%dma_start3A_62 : memref<128x128xf32, #tpu.memory_space<vmem>>) offsets(%dma_start3A_65 : memref<128xi32, #tpu.memory_space<vmem>>) semaphore(%arg11 : memref<!tpu.dma_semaphore, #tpu.memory_space<semaphore_mem>>)
        %dma_wait3A = arith.constant 0 : i32
        %dma_wait3A_69 = arith.constant 0 : i32
        %dma_wait3A_70 = arith.constant 0 : i32
        %dma_wait3A_71 = tpu.memref_slice %arg9[%dma_wait3A, %dma_wait3A_69, %dma_wait3A_70] : memref<2x128x128xf32, #tpu.memory_space<vmem>> -> memref<1x128x128xf32, #tpu.memory_space<vmem>>
        %dma_wait3A_72 = tpu.memref_squeeze %dma_wait3A_71 : memref<1x128x128xf32, #tpu.memory_space<vmem>> -> memref<128x128xf32, #tpu.memory_space<vmem>>
        %dma_wait3A_73 = arith.constant 0 : i32
        %dma_wait3A_74 = tpu.memref_slice %arg7[%mul3A_41, %dma_wait3A_73] : memref<40x128xi32, #tpu.memory_space<vmem>> -> memref<1x128xi32, #tpu.memory_space<vmem>>
        %dma_wait3A_75 = tpu.memref_squeeze %dma_wait3A_74 : memref<1x128xi32, #tpu.memory_space<vmem>> -> memref<128xi32, #tpu.memory_space<vmem>>
        %dma_wait3A_76 = arith.constant 0 : i32
        %dma_wait3A_77 = arith.constant 0 : i32
        %dma_wait3A_78 = tpu.memref_slice %arg2[%dma_wait3A_76, %dma_wait3A_77] : memref<10000x128xf32, #tpu.memory_space<hbm>> -> memref<10000x128xf32, #tpu.memory_space<hbm>>
        tpu.wait_indirect_dma semaphore(%arg10 : memref<!tpu.dma_semaphore, #tpu.memory_space<semaphore_mem>>) src(%dma_wait3A_78 : memref<10000x128xf32, #tpu.memory_space<hbm>>) dst(%dma_wait3A_72 : memref<128x128xf32, #tpu.memory_space<vmem>>)
        %run_scoped3A = arith.constant 0 : i32
        "tpu.region"() ({
          %run_scoped3A_93 = tpu.sem_alloc : memref<!tpu.dma_semaphore, #tpu.memory_space<semaphore_mem>>
          %dma_start3A_94 = arith.constant 0 : i32
          %dma_start3A_95 = arith.constant 0 : i32
          %dma_start3A_96 = tpu.memref_slice %arg9[%run_scoped3A, %dma_start3A_94, %dma_start3A_95] : memref<2x128x128xf32, #tpu.memory_space<vmem>> -> memref<1x128x128xf32, #tpu.memory_space<vmem>>
          %dma_start3A_97 = tpu.memref_squeeze %dma_start3A_96 : memref<1x128x128xf32, #tpu.memory_space<vmem>> -> memref<128x128xf32, #tpu.memory_space<vmem>>
          %dma_start3A_98 = arith.constant 0 : i32
          %dma_start3A_99 = tpu.memref_slice %arg8[%mul3A_41, %dma_start3A_98] : memref<40x128xi32, #tpu.memory_space<vmem>> -> memref<1x128xi32, #tpu.memory_space<vmem>>
          %dma_start3A_100 = tpu.memref_squeeze %dma_start3A_99 : memref<1x128xi32, #tpu.memory_space<vmem>> -> memref<128xi32, #tpu.memory_space<vmem>>
          %dma_start3A_101 = arith.constant 0 : i32
          %dma_start3A_102 = arith.constant 0 : i32
          %dma_start3A_103 = tpu.memref_slice %arg6[%dma_start3A_101, %dma_start3A_102] : memref<10016x128xf32, #tpu.memory_space<vmem_shared>> -> memref<10016x128xf32, #tpu.memory_space<vmem_shared>>
          tpu.enqueue_indirect_dma source(%dma_start3A_97 : memref<128x128xf32, #tpu.memory_space<vmem>>) target(%dma_start3A_103 : memref<10016x128xf32, #tpu.memory_space<vmem_shared>>) offsets(%dma_start3A_100 : memref<128xi32, #tpu.memory_space<vmem>>) semaphore(%run_scoped3A_93 : memref<!tpu.dma_semaphore, #tpu.memory_space<semaphore_mem>>) {add = true}
          %dma_wait3A_104 = arith.constant 0 : i32
          %dma_wait3A_105 = arith.constant 0 : i32
          %dma_wait3A_106 = tpu.memref_slice %arg9[%run_scoped3A, %dma_wait3A_104, %dma_wait3A_105] : memref<2x128x128xf32, #tpu.memory_space<vmem>> -> memref<1x128x128xf32, #tpu.memory_space<vmem>>
          %dma_wait3A_107 = tpu.memref_squeeze %dma_wait3A_106 : memref<1x128x128xf32, #tpu.memory_space<vmem>> -> memref<128x128xf32, #tpu.memory_space<vmem>>
          %dma_wait3A_108 = arith.constant 0 : i32
          %dma_wait3A_109 = tpu.memref_slice %arg8[%mul3A_41, %dma_wait3A_108] : memref<40x128xi32, #tpu.memory_space<vmem>> -> memref<1x128xi32, #tpu.memory_space<vmem>>
          %dma_wait3A_110 = tpu.memref_squeeze %dma_wait3A_109 : memref<1x128xi32, #tpu.memory_space<vmem>> -> memref<128xi32, #tpu.memory_space<vmem>>
          %dma_wait3A_111 = arith.constant 0 : i32
          %dma_wait3A_112 = arith.constant 0 : i32
          %dma_wait3A_113 = tpu.memref_slice %arg6[%dma_wait3A_111, %dma_wait3A_112] : memref<10016x128xf32, #tpu.memory_space<vmem_shared>> -> memref<10016x128xf32, #tpu.memory_space<vmem_shared>>
          tpu.wait_indirect_dma semaphore(%run_scoped3A_93 : memref<!tpu.dma_semaphore, #tpu.memory_space<semaphore_mem>>) src(%dma_wait3A_107 : memref<128x128xf32, #tpu.memory_space<vmem>>) dst(%dma_wait3A_113 : memref<10016x128xf32, #tpu.memory_space<vmem_shared>>)
          tpu.yield
        }) : () -> ()
        %dma_wait3A_79 = arith.constant 1 : i32
        %dma_wait3A_80 = arith.constant 0 : i32
        %dma_wait3A_81 = arith.constant 0 : i32
        %dma_wait3A_82 = tpu.memref_slice %arg9[%dma_wait3A_79, %dma_wait3A_80, %dma_wait3A_81] : memref<2x128x128xf32, #tpu.memory_space<vmem>> -> memref<1x128x128xf32, #tpu.memory_space<vmem>>
        %dma_wait3A_83 = tpu.memref_squeeze %dma_wait3A_82 : memref<1x128x128xf32, #tpu.memory_space<vmem>> -> memref<128x128xf32, #tpu.memory_space<vmem>>
        %dma_wait3A_84 = arith.constant 0 : i32
        %dma_wait3A_85 = tpu.memref_slice %arg7[%add3A_57, %dma_wait3A_84] : memref<40x128xi32, #tpu.memory_space<vmem>> -> memref<1x128xi32, #tpu.memory_space<vmem>>
        %dma_wait3A_86 = tpu.memref_squeeze %dma_wait3A_85 : memref<1x128xi32, #tpu.memory_space<vmem>> -> memref<128xi32, #tpu.memory_space<vmem>>
        %dma_wait3A_87 = arith.constant 0 : i32
        %dma_wait3A_88 = arith.constant 0 : i32
        %dma_wait3A_89 = tpu.memref_slice %arg2[%dma_wait3A_87, %dma_wait3A_88] : memref<10000x128xf32, #tpu.memory_space<hbm>> -> memref<10000x128xf32, #tpu.memory_space<hbm>>
        tpu.wait_indirect_dma semaphore(%arg11 : memref<!tpu.dma_semaphore, #tpu.memory_space<semaphore_mem>>) src(%dma_wait3A_89 : memref<10000x128xf32, #tpu.memory_space<hbm>>) dst(%dma_wait3A_83 : memref<128x128xf32, #tpu.memory_space<vmem>>)
        %add3A_90 = arith.constant 1 : i32
        %add3A_91 = arith.addi %mul3A_41, %add3A_90 : i32
        %run_scoped3A_92 = arith.constant 1 : i32
        "tpu.region"() ({
          %run_scoped3A_93 = tpu.sem_alloc : memref<!tpu.dma_semaphore, #tpu.memory_space<semaphore_mem>>
          %dma_start3A_94 = arith.constant 0 : i32
          %dma_start3A_95 = arith.constant 0 : i32
          %dma_start3A_96 = tpu.memref_slice %arg9[%run_scoped3A_92, %dma_start3A_94, %dma_start3A_95] : memref<2x128x128xf32, #tpu.memory_space<vmem>> -> memref<1x128x128xf32, #tpu.memory_space<vmem>>
          %dma_start3A_97 = tpu.memref_squeeze %dma_start3A_96 : memref<1x128x128xf32, #tpu.memory_space<vmem>> -> memref<128x128xf32, #tpu.memory_space<vmem>>
          %dma_start3A_98 = arith.constant 0 : i32
          %dma_start3A_99 = tpu.memref_slice %arg8[%add3A_91, %dma_start3A_98] : memref<40x128xi32, #tpu.memory_space<vmem>> -> memref<1x128xi32, #tpu.memory_space<vmem>>
          %dma_start3A_100 = tpu.memref_squeeze %dma_start3A_99 : memref<1x128xi32, #tpu.memory_space<vmem>> -> memref<128xi32, #tpu.memory_space<vmem>>
          %dma_start3A_101 = arith.constant 0 : i32
          %dma_start3A_102 = arith.constant 0 : i32
          %dma_start3A_103 = tpu.memref_slice %arg6[%dma_start3A_101, %dma_start3A_102] : memref<10016x128xf32, #tpu.memory_space<vmem_shared>> -> memref<10016x128xf32, #tpu.memory_space<vmem_shared>>
          tpu.enqueue_indirect_dma source(%dma_start3A_97 : memref<128x128xf32, #tpu.memory_space<vmem>>) target(%dma_start3A_103 : memref<10016x128xf32, #tpu.memory_space<vmem_shared>>) offsets(%dma_start3A_100 : memref<128xi32, #tpu.memory_space<vmem>>) semaphore(%run_scoped3A_93 : memref<!tpu.dma_semaphore, #tpu.memory_space<semaphore_mem>>) {add = true}
          %dma_wait3A_104 = arith.constant 0 : i32
          %dma_wait3A_105 = arith.constant 0 : i32
          %dma_wait3A_106 = tpu.memref_slice %arg9[%run_scoped3A_92, %dma_wait3A_104, %dma_wait3A_105] : memref<2x128x128xf32, #tpu.memory_space<vmem>> -> memref<1x128x128xf32, #tpu.memory_space<vmem>>
          %dma_wait3A_107 = tpu.memref_squeeze %dma_wait3A_106 : memref<1x128x128xf32, #tpu.memory_space<vmem>> -> memref<128x128xf32, #tpu.memory_space<vmem>>
          %dma_wait3A_108 = arith.constant 0 : i32
          %dma_wait3A_109 = tpu.memref_slice %arg8[%add3A_91, %dma_wait3A_108] : memref<40x128xi32, #tpu.memory_space<vmem>> -> memref<1x128xi32, #tpu.memory_space<vmem>>
          %dma_wait3A_110 = tpu.memref_squeeze %dma_wait3A_109 : memref<1x128xi32, #tpu.memory_space<vmem>> -> memref<128xi32, #tpu.memory_space<vmem>>
          %dma_wait3A_111 = arith.constant 0 : i32
          %dma_wait3A_112 = arith.constant 0 : i32
          %dma_wait3A_113 = tpu.memref_slice %arg6[%dma_wait3A_111, %dma_wait3A_112] : memref<10016x128xf32, #tpu.memory_space<vmem_shared>> -> memref<10016x128xf32, #tpu.memory_space<vmem_shared>>
          tpu.wait_indirect_dma semaphore(%run_scoped3A_93 : memref<!tpu.dma_semaphore, #tpu.memory_space<semaphore_mem>>) src(%dma_wait3A_107 : memref<128x128xf32, #tpu.memory_space<vmem>>) dst(%dma_wait3A_113 : memref<10016x128xf32, #tpu.memory_space<vmem_shared>>)
          tpu.yield
        }) : () -> ()
      } else {
      }
    }
    %scan3A_27 = arith.constant 20 : i32
    %barrier3A_28 = arith.constant 0 : index
    tpu.barrier barrier_id(%barrier3A_28)
    %lt3A_29 = arith.constant 15 : i32
    %lt3A_30 = arith.cmpi slt, %arg1, %lt3A_29 : i32
    %convert_element_type3A_31 = arith.extui %lt3A_30 : i1 to i32
    %cond3A_32 = arith.constant 0 : i32
    %cond3A_33 = arith.cmpi ne, %convert_element_type3A_31, %cond3A_32 : i32
    scf.if %cond3A_33 {
      %add3A_39 = arith.constant 0 : i32
      %add3A_40 = arith.addi %multiple_of3A, %add3A_39 : i32
      %run_scoped3A = arith.constant 0 : i32
      "tpu.region"() ({
        %run_scoped3A_60 = tpu.sem_alloc : memref<!tpu.dma_semaphore, #tpu.memory_space<semaphore_mem>>
        %dma_start3A = arith.constant 0 : i32
        %dma_start3A_61 = arith.constant 0 : i32
        %dma_start3A_62 = tpu.memref_slice %arg9[%run_scoped3A, %dma_start3A, %dma_start3A_61] : memref<2x128x128xf32, #tpu.memory_space<vmem>> -> memref<1x128x128xf32, #tpu.memory_space<vmem>>
        %dma_start3A_63 = tpu.memref_squeeze %dma_start3A_62 : memref<1x128x128xf32, #tpu.memory_space<vmem>> -> memref<128x128xf32, #tpu.memory_space<vmem>>
        %dma_start3A_64 = arith.constant 0 : i32
        %dma_start3A_65 = tpu.memref_slice %arg6[%add3A_40, %dma_start3A_64] : memref<10016x128xf32, #tpu.memory_space<vmem_shared>> -> memref<128x128xf32, #tpu.memory_space<vmem_shared>>
        %dma_start3A_66 = arith.constant 0 : i32
        %dma_start3A_67 = arith.constant 0 : i32
        %dma_start3A_68 = tpu.memref_slice %arg9[%run_scoped3A, %dma_start3A_66, %dma_start3A_67] : memref<2x128x128xf32, #tpu.memory_space<vmem>> -> memref<1x128x128xf32, #tpu.memory_space<vmem>>
        %dma_start3A_69 = tpu.memref_squeeze %dma_start3A_68 : memref<1x128x128xf32, #tpu.memory_space<vmem>> -> memref<128x128xf32, #tpu.memory_space<vmem>>
        %dma_start3A_70 = arith.constant 0 : i32
        %dma_start3A_71 = tpu.memref_slice %arg6[%add3A_40, %dma_start3A_70] : memref<10016x128xf32, #tpu.memory_space<vmem_shared>> -> memref<128x128xf32, #tpu.memory_space<vmem_shared>>
        tpu.enqueue_dma source(%dma_start3A_71 : memref<128x128xf32, #tpu.memory_space<vmem_shared>>) target(%dma_start3A_69 : memref<128x128xf32, #tpu.memory_space<vmem>>) target_semaphore(%run_scoped3A_60 : memref<!tpu.dma_semaphore, #tpu.memory_space<semaphore_mem>>)
        %dma_wait3A = arith.constant 0 : i32
        %dma_wait3A_72 = arith.constant 0 : i32
        %dma_wait3A_73 = tpu.memref_slice %arg9[%run_scoped3A, %dma_wait3A, %dma_wait3A_72] : memref<2x128x128xf32, #tpu.memory_space<vmem>> -> memref<1x128x128xf32, #tpu.memory_space<vmem>>
        %dma_wait3A_74 = tpu.memref_squeeze %dma_wait3A_73 : memref<1x128x128xf32, #tpu.memory_space<vmem>> -> memref<128x128xf32, #tpu.memory_space<vmem>>
        %dma_wait3A_75 = arith.constant 0 : i32
        %dma_wait3A_76 = tpu.memref_slice %arg6[%add3A_40, %dma_wait3A_75] : memref<10016x128xf32, #tpu.memory_space<vmem_shared>> -> memref<128x128xf32, #tpu.memory_space<vmem_shared>>
        %dma_wait3A_77 = arith.constant 0 : i32
        %dma_wait3A_78 = arith.constant 0 : i32
        %dma_wait3A_79 = tpu.memref_slice %arg9[%run_scoped3A, %dma_wait3A_77, %dma_wait3A_78] : memref<2x128x128xf32, #tpu.memory_space<vmem>> -> memref<1x128x128xf32, #tpu.memory_space<vmem>>
        %dma_wait3A_80 = tpu.memref_squeeze %dma_wait3A_79 : memref<1x128x128xf32, #tpu.memory_space<vmem>> -> memref<128x128xf32, #tpu.memory_space<vmem>>
        %dma_wait3A_81 = arith.constant 0 : i32
        %dma_wait3A_82 = tpu.memref_slice %arg6[%add3A_40, %dma_wait3A_81] : memref<10016x128xf32, #tpu.memory_space<vmem_shared>> -> memref<128x128xf32, #tpu.memory_space<vmem_shared>>
        tpu.wait_dma2 semaphore(%run_scoped3A_60 : memref<!tpu.dma_semaphore, #tpu.memory_space<semaphore_mem>>) src(%dma_wait3A_82 : memref<128x128xf32, #tpu.memory_space<vmem_shared>>) dst(%dma_wait3A_80 : memref<128x128xf32, #tpu.memory_space<vmem>>)
        tpu.yield
      }) : () -> ()
      %run_scoped3A_41 = arith.constant 0 : i32
      "tpu.region"() ({
        %run_scoped3A_60 = tpu.sem_alloc : memref<!tpu.dma_semaphore, #tpu.memory_space<semaphore_mem>>
        %dma_start3A = arith.constant 0 : i32
        %dma_start3A_61 = arith.constant 0 : i32
        %dma_start3A_62 = tpu.memref_slice %arg9[%run_scoped3A_41, %dma_start3A, %dma_start3A_61] : memref<2x128x128xf32, #tpu.memory_space<vmem>> -> memref<1x128x128xf32, #tpu.memory_space<vmem>>
        %dma_start3A_63 = tpu.memref_squeeze %dma_start3A_62 : memref<1x128x128xf32, #tpu.memory_space<vmem>> -> memref<128x128xf32, #tpu.memory_space<vmem>>
        %dma_start3A_64 = arith.constant 0 : i32
        %dma_start3A_65 = tpu.memref_slice %arg5[%arg0, %add3A_40, %dma_start3A_64] : memref<2x10000x128xf32, #tpu.memory_space<hbm>> -> memref<1x128x128xf32, #tpu.memory_space<hbm>>
        %dma_start3A_66 = tpu.memref_squeeze %dma_start3A_65 : memref<1x128x128xf32, #tpu.memory_space<hbm>> -> memref<128x128xf32, #tpu.memory_space<hbm>>
        %dma_start3A_67 = arith.constant 0 : i32
        %dma_start3A_68 = tpu.memref_slice %arg5[%arg0, %add3A_40, %dma_start3A_67] : memref<2x10000x128xf32, #tpu.memory_space<hbm>> -> memref<1x128x128xf32, #tpu.memory_space<hbm>>
        %dma_start3A_69 = tpu.memref_squeeze %dma_start3A_68 : memref<1x128x128xf32, #tpu.memory_space<hbm>> -> memref<128x128xf32, #tpu.memory_space<hbm>>
        %dma_start3A_70 = arith.constant 0 : i32
        %dma_start3A_71 = arith.constant 0 : i32
        %dma_start3A_72 = tpu.memref_slice %arg9[%run_scoped3A_41, %dma_start3A_70, %dma_start3A_71] : memref<2x128x128xf32, #tpu.memory_space<vmem>> -> memref<1x128x128xf32, #tpu.memory_space<vmem>>
        %dma_start3A_73 = tpu.memref_squeeze %dma_start3A_72 : memref<1x128x128xf32, #tpu.memory_space<vmem>> -> memref<128x128xf32, #tpu.memory_space<vmem>>
        tpu.enqueue_dma source(%dma_start3A_73 : memref<128x128xf32, #tpu.memory_space<vmem>>) target(%dma_start3A_69 : memref<128x128xf32, #tpu.memory_space<hbm>>) target_semaphore(%run_scoped3A_60 : memref<!tpu.dma_semaphore, #tpu.memory_space<semaphore_mem>>)
        %dma_wait3A = arith.constant 0 : i32
        %dma_wait3A_74 = arith.constant 0 : i32
        %dma_wait3A_75 = tpu.memref_slice %arg9[%run_scoped3A_41, %dma_wait3A, %dma_wait3A_74] : memref<2x128x128xf32, #tpu.memory_space<vmem>> -> memref<1x128x128xf32, #tpu.memory_space<vmem>>
        %dma_wait3A_76 = tpu.memref_squeeze %dma_wait3A_75 : memref<1x128x128xf32, #tpu.memory_space<vmem>> -> memref<128x128xf32, #tpu.memory_space<vmem>>
        %dma_wait3A_77 = arith.constant 0 : i32
        %dma_wait3A_78 = tpu.memref_slice %arg5[%arg0, %add3A_40, %dma_wait3A_77] : memref<2x10000x128xf32, #tpu.memory_space<hbm>> -> memref<1x128x128xf32, #tpu.memory_space<hbm>>
        %dma_wait3A_79 = tpu.memref_squeeze %dma_wait3A_78 : memref<1x128x128xf32, #tpu.memory_space<hbm>> -> memref<128x128xf32, #tpu.memory_space<hbm>>
        %dma_wait3A_80 = arith.constant 0 : i32
        %dma_wait3A_81 = tpu.memref_slice %arg5[%arg0, %add3A_40, %dma_wait3A_80] : memref<2x10000x128xf32, #tpu.memory_space<hbm>> -> memref<1x128x128xf32, #tpu.memory_space<hbm>>
        %dma_wait3A_82 = tpu.memref_squeeze %dma_wait3A_81 : memref<1x128x128xf32, #tpu.memory_space<hbm>> -> memref<128x128xf32, #tpu.memory_space<hbm>>
        %dma_wait3A_83 = arith.constant 0 : i32
        %dma_wait3A_84 = arith.constant 0 : i32
        %dma_wait3A_85 = tpu.memref_slice %arg9[%run_scoped3A_41, %dma_wait3A_83, %dma_wait3A_84] : memref<2x128x128xf32, #tpu.memory_space<vmem>> -> memref<1x128x128xf32, #tpu.memory_space<vmem>>
        %dma_wait3A_86 = tpu.memref_squeeze %dma_wait3A_85 : memref<1x128x128xf32, #tpu.memory_space<vmem>> -> memref<128x128xf32, #tpu.memory_space<vmem>>
        tpu.wait_dma2 semaphore(%run_scoped3A_60 : memref<!tpu.dma_semaphore, #tpu.memory_space<semaphore_mem>>) src(%dma_wait3A_86 : memref<128x128xf32, #tpu.memory_space<vmem>>) dst(%dma_wait3A_82 : memref<128x128xf32, #tpu.memory_space<hbm>>)
        tpu.yield
      }) : () -> ()
      %add3A_42 = arith.constant 128 : i32
      %add3A_43 = arith.addi %multiple_of3A, %add3A_42 : i32
      %run_scoped3A_44 = arith.constant 0 : i32
      "tpu.region"() ({
        %run_scoped3A_60 = tpu.sem_alloc : memref<!tpu.dma_semaphore, #tpu.memory_space<semaphore_mem>>
        %dma_start3A = arith.constant 0 : i32
        %dma_start3A_61 = arith.constant 0 : i32
        %dma_start3A_62 = tpu.memref_slice %arg9[%run_scoped3A_44, %dma_start3A, %dma_start3A_61] : memref<2x128x128xf32, #tpu.memory_space<vmem>> -> memref<1x128x128xf32, #tpu.memory_space<vmem>>
        %dma_start3A_63 = tpu.memref_squeeze %dma_start3A_62 : memref<1x128x128xf32, #tpu.memory_space<vmem>> -> memref<128x128xf32, #tpu.memory_space<vmem>>
        %dma_start3A_64 = arith.constant 0 : i32
        %dma_start3A_65 = tpu.memref_slice %arg6[%add3A_43, %dma_start3A_64] : memref<10016x128xf32, #tpu.memory_space<vmem_shared>> -> memref<128x128xf32, #tpu.memory_space<vmem_shared>>
        %dma_start3A_66 = arith.constant 0 : i32
        %dma_start3A_67 = arith.constant 0 : i32
        %dma_start3A_68 = tpu.memref_slice %arg9[%run_scoped3A_44, %dma_start3A_66, %dma_start3A_67] : memref<2x128x128xf32, #tpu.memory_space<vmem>> -> memref<1x128x128xf32, #tpu.memory_space<vmem>>
        %dma_start3A_69 = tpu.memref_squeeze %dma_start3A_68 : memref<1x128x128xf32, #tpu.memory_space<vmem>> -> memref<128x128xf32, #tpu.memory_space<vmem>>
        %dma_start3A_70 = arith.constant 0 : i32
        %dma_start3A_71 = tpu.memref_slice %arg6[%add3A_43, %dma_start3A_70] : memref<10016x128xf32, #tpu.memory_space<vmem_shared>> -> memref<128x128xf32, #tpu.memory_space<vmem_shared>>
        tpu.enqueue_dma source(%dma_start3A_71 : memref<128x128xf32, #tpu.memory_space<vmem_shared>>) target(%dma_start3A_69 : memref<128x128xf32, #tpu.memory_space<vmem>>) target_semaphore(%run_scoped3A_60 : memref<!tpu.dma_semaphore, #tpu.memory_space<semaphore_mem>>)
        %dma_wait3A = arith.constant 0 : i32
        %dma_wait3A_72 = arith.constant 0 : i32
        %dma_wait3A_73 = tpu.memref_slice %arg9[%run_scoped3A_44, %dma_wait3A, %dma_wait3A_72] : memref<2x128x128xf32, #tpu.memory_space<vmem>> -> memref<1x128x128xf32, #tpu.memory_space<vmem>>
        %dma_wait3A_74 = tpu.memref_squeeze %dma_wait3A_73 : memref<1x128x128xf32, #tpu.memory_space<vmem>> -> memref<128x128xf32, #tpu.memory_space<vmem>>
        %dma_wait3A_75 = arith.constant 0 : i32
        %dma_wait3A_76 = tpu.memref_slice %arg6[%add3A_43, %dma_wait3A_75] : memref<10016x128xf32, #tpu.memory_space<vmem_shared>> -> memref<128x128xf32, #tpu.memory_space<vmem_shared>>
        %dma_wait3A_77 = arith.constant 0 : i32
        %dma_wait3A_78 = arith.constant 0 : i32
        %dma_wait3A_79 = tpu.memref_slice %arg9[%run_scoped3A_44, %dma_wait3A_77, %dma_wait3A_78] : memref<2x128x128xf32, #tpu.memory_space<vmem>> -> memref<1x128x128xf32, #tpu.memory_space<vmem>>
        %dma_wait3A_80 = tpu.memref_squeeze %dma_wait3A_79 : memref<1x128x128xf32, #tpu.memory_space<vmem>> -> memref<128x128xf32, #tpu.memory_space<vmem>>
        %dma_wait3A_81 = arith.constant 0 : i32
        %dma_wait3A_82 = tpu.memref_slice %arg6[%add3A_43, %dma_wait3A_81] : memref<10016x128xf32, #tpu.memory_space<vmem_shared>> -> memref<128x128xf32, #tpu.memory_space<vmem_shared>>
        tpu.wait_dma2 semaphore(%run_scoped3A_60 : memref<!tpu.dma_semaphore, #tpu.memory_space<semaphore_mem>>) src(%dma_wait3A_82 : memref<128x128xf32, #tpu.memory_space<vmem_shared>>) dst(%dma_wait3A_80 : memref<128x128xf32, #tpu.memory_space<vmem>>)
        tpu.yield
      }) : () -> ()
      %run_scoped3A_45 = arith.constant 0 : i32
      "tpu.region"() ({
        %run_scoped3A_60 = tpu.sem_alloc : memref<!tpu.dma_semaphore, #tpu.memory_space<semaphore_mem>>
        %dma_start3A = arith.constant 0 : i32
        %dma_start3A_61 = arith.constant 0 : i32
        %dma_start3A_62 = tpu.memref_slice %arg9[%run_scoped3A_45, %dma_start3A, %dma_start3A_61] : memref<2x128x128xf32, #tpu.memory_space<vmem>> -> memref<1x128x128xf32, #tpu.memory_space<vmem>>
        %dma_start3A_63 = tpu.memref_squeeze %dma_start3A_62 : memref<1x128x128xf32, #tpu.memory_space<vmem>> -> memref<128x128xf32, #tpu.memory_space<vmem>>
        %dma_start3A_64 = arith.constant 0 : i32
        %dma_start3A_65 = tpu.memref_slice %arg5[%arg0, %add3A_43, %dma_start3A_64] : memref<2x10000x128xf32, #tpu.memory_space<hbm>> -> memref<1x128x128xf32, #tpu.memory_space<hbm>>
        %dma_start3A_66 = tpu.memref_squeeze %dma_start3A_65 : memref<1x128x128xf32, #tpu.memory_space<hbm>> -> memref<128x128xf32, #tpu.memory_space<hbm>>
        %dma_start3A_67 = arith.constant 0 : i32
        %dma_start3A_68 = tpu.memref_slice %arg5[%arg0, %add3A_43, %dma_start3A_67] : memref<2x10000x128xf32, #tpu.memory_space<hbm>> -> memref<1x128x128xf32, #tpu.memory_space<hbm>>
        %dma_start3A_69 = tpu.memref_squeeze %dma_start3A_68 : memref<1x128x128xf32, #tpu.memory_space<hbm>> -> memref<128x128xf32, #tpu.memory_space<hbm>>
        %dma_start3A_70 = arith.constant 0 : i32
        %dma_start3A_71 = arith.constant 0 : i32
        %dma_start3A_72 = tpu.memref_slice %arg9[%run_scoped3A_45, %dma_start3A_70, %dma_start3A_71] : memref<2x128x128xf32, #tpu.memory_space<vmem>> -> memref<1x128x128xf32, #tpu.memory_space<vmem>>
        %dma_start3A_73 = tpu.memref_squeeze %dma_start3A_72 : memref<1x128x128xf32, #tpu.memory_space<vmem>> -> memref<128x128xf32, #tpu.memory_space<vmem>>
        tpu.enqueue_dma source(%dma_start3A_73 : memref<128x128xf32, #tpu.memory_space<vmem>>) target(%dma_start3A_69 : memref<128x128xf32, #tpu.memory_space<hbm>>) target_semaphore(%run_scoped3A_60 : memref<!tpu.dma_semaphore, #tpu.memory_space<semaphore_mem>>)
        %dma_wait3A = arith.constant 0 : i32
        %dma_wait3A_74 = arith.constant 0 : i32
        %dma_wait3A_75 = tpu.memref_slice %arg9[%run_scoped3A_45, %dma_wait3A, %dma_wait3A_74] : memref<2x128x128xf32, #tpu.memory_space<vmem>> -> memref<1x128x128xf32, #tpu.memory_space<vmem>>
        %dma_wait3A_76 = tpu.memref_squeeze %dma_wait3A_75 : memref<1x128x128xf32, #tpu.memory_space<vmem>> -> memref<128x128xf32, #tpu.memory_space<vmem>>
        %dma_wait3A_77 = arith.constant 0 : i32
        %dma_wait3A_78 = tpu.memref_slice %arg5[%arg0, %add3A_43, %dma_wait3A_77] : memref<2x10000x128xf32, #tpu.memory_space<hbm>> -> memref<1x128x128xf32, #tpu.memory_space<hbm>>
        %dma_wait3A_79 = tpu.memref_squeeze %dma_wait3A_78 : memref<1x128x128xf32, #tpu.memory_space<hbm>> -> memref<128x128xf32, #tpu.memory_space<hbm>>
        %dma_wait3A_80 = arith.constant 0 : i32
        %dma_wait3A_81 = tpu.memref_slice %arg5[%arg0, %add3A_43, %dma_wait3A_80] : memref<2x10000x128xf32, #tpu.memory_space<hbm>> -> memref<1x128x128xf32, #tpu.memory_space<hbm>>
        %dma_wait3A_82 = tpu.memref_squeeze %dma_wait3A_81 : memref<1x128x128xf32, #tpu.memory_space<hbm>> -> memref<128x128xf32, #tpu.memory_space<hbm>>
        %dma_wait3A_83 = arith.constant 0 : i32
        %dma_wait3A_84 = arith.constant 0 : i32
        %dma_wait3A_85 = tpu.memref_slice %arg9[%run_scoped3A_45, %dma_wait3A_83, %dma_wait3A_84] : memref<2x128x128xf32, #tpu.memory_space<vmem>> -> memref<1x128x128xf32, #tpu.memory_space<vmem>>
        %dma_wait3A_86 = tpu.memref_squeeze %dma_wait3A_85 : memref<1x128x128xf32, #tpu.memory_space<vmem>> -> memref<128x128xf32, #tpu.memory_space<vmem>>
        tpu.wait_dma2 semaphore(%run_scoped3A_60 : memref<!tpu.dma_semaphore, #tpu.memory_space<semaphore_mem>>) src(%dma_wait3A_86 : memref<128x128xf32, #tpu.memory_space<vmem>>) dst(%dma_wait3A_82 : memref<128x128xf32, #tpu.memory_space<hbm>>)
        tpu.yield
      }) : () -> ()
      %add3A_46 = arith.constant 256 : i32
      %add3A_47 = arith.addi %multiple_of3A, %add3A_46 : i32
      %run_scoped3A_48 = arith.constant 0 : i32
      "tpu.region"() ({
        %run_scoped3A_60 = tpu.sem_alloc : memref<!tpu.dma_semaphore, #tpu.memory_space<semaphore_mem>>
        %dma_start3A = arith.constant 0 : i32
        %dma_start3A_61 = arith.constant 0 : i32
        %dma_start3A_62 = tpu.memref_slice %arg9[%run_scoped3A_48, %dma_start3A, %dma_start3A_61] : memref<2x128x128xf32, #tpu.memory_space<vmem>> -> memref<1x128x128xf32, #tpu.memory_space<vmem>>
        %dma_start3A_63 = tpu.memref_squeeze %dma_start3A_62 : memref<1x128x128xf32, #tpu.memory_space<vmem>> -> memref<128x128xf32, #tpu.memory_space<vmem>>
        %dma_start3A_64 = arith.constant 0 : i32
        %dma_start3A_65 = tpu.memref_slice %arg6[%add3A_47, %dma_start3A_64] : memref<10016x128xf32, #tpu.memory_space<vmem_shared>> -> memref<128x128xf32, #tpu.memory_space<vmem_shared>>
        %dma_start3A_66 = arith.constant 0 : i32
        %dma_start3A_67 = arith.constant 0 : i32
        %dma_start3A_68 = tpu.memref_slice %arg9[%run_scoped3A_48, %dma_start3A_66, %dma_start3A_67] : memref<2x128x128xf32, #tpu.memory_space<vmem>> -> memref<1x128x128xf32, #tpu.memory_space<vmem>>
        %dma_start3A_69 = tpu.memref_squeeze %dma_start3A_68 : memref<1x128x128xf32, #tpu.memory_space<vmem>> -> memref<128x128xf32, #tpu.memory_space<vmem>>
        %dma_start3A_70 = arith.constant 0 : i32
        %dma_start3A_71 = tpu.memref_slice %arg6[%add3A_47, %dma_start3A_70] : memref<10016x128xf32, #tpu.memory_space<vmem_shared>> -> memref<128x128xf32, #tpu.memory_space<vmem_shared>>
        tpu.enqueue_dma source(%dma_start3A_71 : memref<128x128xf32, #tpu.memory_space<vmem_shared>>) target(%dma_start3A_69 : memref<128x128xf32, #tpu.memory_space<vmem>>) target_semaphore(%run_scoped3A_60 : memref<!tpu.dma_semaphore, #tpu.memory_space<semaphore_mem>>)
        %dma_wait3A = arith.constant 0 : i32
        %dma_wait3A_72 = arith.constant 0 : i32
        %dma_wait3A_73 = tpu.memref_slice %arg9[%run_scoped3A_48, %dma_wait3A, %dma_wait3A_72] : memref<2x128x128xf32, #tpu.memory_space<vmem>> -> memref<1x128x128xf32, #tpu.memory_space<vmem>>
        %dma_wait3A_74 = tpu.memref_squeeze %dma_wait3A_73 : memref<1x128x128xf32, #tpu.memory_space<vmem>> -> memref<128x128xf32, #tpu.memory_space<vmem>>
        %dma_wait3A_75 = arith.constant 0 : i32
        %dma_wait3A_76 = tpu.memref_slice %arg6[%add3A_47, %dma_wait3A_75] : memref<10016x128xf32, #tpu.memory_space<vmem_shared>> -> memref<128x128xf32, #tpu.memory_space<vmem_shared>>
        %dma_wait3A_77 = arith.constant 0 : i32
        %dma_wait3A_78 = arith.constant 0 : i32
        %dma_wait3A_79 = tpu.memref_slice %arg9[%run_scoped3A_48, %dma_wait3A_77, %dma_wait3A_78] : memref<2x128x128xf32, #tpu.memory_space<vmem>> -> memref<1x128x128xf32, #tpu.memory_space<vmem>>
        %dma_wait3A_80 = tpu.memref_squeeze %dma_wait3A_79 : memref<1x128x128xf32, #tpu.memory_space<vmem>> -> memref<128x128xf32, #tpu.memory_space<vmem>>
        %dma_wait3A_81 = arith.constant 0 : i32
        %dma_wait3A_82 = tpu.memref_slice %arg6[%add3A_47, %dma_wait3A_81] : memref<10016x128xf32, #tpu.memory_space<vmem_shared>> -> memref<128x128xf32, #tpu.memory_space<vmem_shared>>
        tpu.wait_dma2 semaphore(%run_scoped3A_60 : memref<!tpu.dma_semaphore, #tpu.memory_space<semaphore_mem>>) src(%dma_wait3A_82 : memref<128x128xf32, #tpu.memory_space<vmem_shared>>) dst(%dma_wait3A_80 : memref<128x128xf32, #tpu.memory_space<vmem>>)
        tpu.yield
      }) : () -> ()
      %run_scoped3A_49 = arith.constant 0 : i32
      "tpu.region"() ({
        %run_scoped3A_60 = tpu.sem_alloc : memref<!tpu.dma_semaphore, #tpu.memory_space<semaphore_mem>>
        %dma_start3A = arith.constant 0 : i32
        %dma_start3A_61 = arith.constant 0 : i32
        %dma_start3A_62 = tpu.memref_slice %arg9[%run_scoped3A_49, %dma_start3A, %dma_start3A_61] : memref<2x128x128xf32, #tpu.memory_space<vmem>> -> memref<1x128x128xf32, #tpu.memory_space<vmem>>
        %dma_start3A_63 = tpu.memref_squeeze %dma_start3A_62 : memref<1x128x128xf32, #tpu.memory_space<vmem>> -> memref<128x128xf32, #tpu.memory_space<vmem>>
        %dma_start3A_64 = arith.constant 0 : i32
        %dma_start3A_65 = tpu.memref_slice %arg5[%arg0, %add3A_47, %dma_start3A_64] : memref<2x10000x128xf32, #tpu.memory_space<hbm>> -> memref<1x128x128xf32, #tpu.memory_space<hbm>>
        %dma_start3A_66 = tpu.memref_squeeze %dma_start3A_65 : memref<1x128x128xf32, #tpu.memory_space<hbm>> -> memref<128x128xf32, #tpu.memory_space<hbm>>
        %dma_start3A_67 = arith.constant 0 : i32
        %dma_start3A_68 = tpu.memref_slice %arg5[%arg0, %add3A_47, %dma_start3A_67] : memref<2x10000x128xf32, #tpu.memory_space<hbm>> -> memref<1x128x128xf32, #tpu.memory_space<hbm>>
        %dma_start3A_69 = tpu.memref_squeeze %dma_start3A_68 : memref<1x128x128xf32, #tpu.memory_space<hbm>> -> memref<128x128xf32, #tpu.memory_space<hbm>>
        %dma_start3A_70 = arith.constant 0 : i32
        %dma_start3A_71 = arith.constant 0 : i32
        %dma_start3A_72 = tpu.memref_slice %arg9[%run_scoped3A_49, %dma_start3A_70, %dma_start3A_71] : memref<2x128x128xf32, #tpu.memory_space<vmem>> -> memref<1x128x128xf32, #tpu.memory_space<vmem>>
        %dma_start3A_73 = tpu.memref_squeeze %dma_start3A_72 : memref<1x128x128xf32, #tpu.memory_space<vmem>> -> memref<128x128xf32, #tpu.memory_space<vmem>>
        tpu.enqueue_dma source(%dma_start3A_73 : memref<128x128xf32, #tpu.memory_space<vmem>>) target(%dma_start3A_69 : memref<128x128xf32, #tpu.memory_space<hbm>>) target_semaphore(%run_scoped3A_60 : memref<!tpu.dma_semaphore, #tpu.memory_space<semaphore_mem>>)
        %dma_wait3A = arith.constant 0 : i32
        %dma_wait3A_74 = arith.constant 0 : i32
        %dma_wait3A_75 = tpu.memref_slice %arg9[%run_scoped3A_49, %dma_wait3A, %dma_wait3A_74] : memref<2x128x128xf32, #tpu.memory_space<vmem>> -> memref<1x128x128xf32, #tpu.memory_space<vmem>>
        %dma_wait3A_76 = tpu.memref_squeeze %dma_wait3A_75 : memref<1x128x128xf32, #tpu.memory_space<vmem>> -> memref<128x128xf32, #tpu.memory_space<vmem>>
        %dma_wait3A_77 = arith.constant 0 : i32
        %dma_wait3A_78 = tpu.memref_slice %arg5[%arg0, %add3A_47, %dma_wait3A_77] : memref<2x10000x128xf32, #tpu.memory_space<hbm>> -> memref<1x128x128xf32, #tpu.memory_space<hbm>>
        %dma_wait3A_79 = tpu.memref_squeeze %dma_wait3A_78 : memref<1x128x128xf32, #tpu.memory_space<hbm>> -> memref<128x128xf32, #tpu.memory_space<hbm>>
        %dma_wait3A_80 = arith.constant 0 : i32
        %dma_wait3A_81 = tpu.memref_slice %arg5[%arg0, %add3A_47, %dma_wait3A_80] : memref<2x10000x128xf32, #tpu.memory_space<hbm>> -> memref<1x128x128xf32, #tpu.memory_space<hbm>>
        %dma_wait3A_82 = tpu.memref_squeeze %dma_wait3A_81 : memref<1x128x128xf32, #tpu.memory_space<hbm>> -> memref<128x128xf32, #tpu.memory_space<hbm>>
        %dma_wait3A_83 = arith.constant 0 : i32
        %dma_wait3A_84 = arith.constant 0 : i32
        %dma_wait3A_85 = tpu.memref_slice %arg9[%run_scoped3A_49, %dma_wait3A_83, %dma_wait3A_84] : memref<2x128x128xf32, #tpu.memory_space<vmem>> -> memref<1x128x128xf32, #tpu.memory_space<vmem>>
        %dma_wait3A_86 = tpu.memref_squeeze %dma_wait3A_85 : memref<1x128x128xf32, #tpu.memory_space<vmem>> -> memref<128x128xf32, #tpu.memory_space<vmem>>
        tpu.wait_dma2 semaphore(%run_scoped3A_60 : memref<!tpu.dma_semaphore, #tpu.memory_space<semaphore_mem>>) src(%dma_wait3A_86 : memref<128x128xf32, #tpu.memory_space<vmem>>) dst(%dma_wait3A_82 : memref<128x128xf32, #tpu.memory_space<hbm>>)
        tpu.yield
      }) : () -> ()
      %add3A_50 = arith.constant 384 : i32
      %add3A_51 = arith.addi %multiple_of3A, %add3A_50 : i32
      %run_scoped3A_52 = arith.constant 0 : i32
      "tpu.region"() ({
        %run_scoped3A_60 = tpu.sem_alloc : memref<!tpu.dma_semaphore, #tpu.memory_space<semaphore_mem>>
        %dma_start3A = arith.constant 0 : i32
        %dma_start3A_61 = arith.constant 0 : i32
        %dma_start3A_62 = tpu.memref_slice %arg9[%run_scoped3A_52, %dma_start3A, %dma_start3A_61] : memref<2x128x128xf32, #tpu.memory_space<vmem>> -> memref<1x128x128xf32, #tpu.memory_space<vmem>>
        %dma_start3A_63 = tpu.memref_squeeze %dma_start3A_62 : memref<1x128x128xf32, #tpu.memory_space<vmem>> -> memref<128x128xf32, #tpu.memory_space<vmem>>
        %dma_start3A_64 = arith.constant 0 : i32
        %dma_start3A_65 = tpu.memref_slice %arg6[%add3A_51, %dma_start3A_64] : memref<10016x128xf32, #tpu.memory_space<vmem_shared>> -> memref<128x128xf32, #tpu.memory_space<vmem_shared>>
        %dma_start3A_66 = arith.constant 0 : i32
        %dma_start3A_67 = arith.constant 0 : i32
        %dma_start3A_68 = tpu.memref_slice %arg9[%run_scoped3A_52, %dma_start3A_66, %dma_start3A_67] : memref<2x128x128xf32, #tpu.memory_space<vmem>> -> memref<1x128x128xf32, #tpu.memory_space<vmem>>
        %dma_start3A_69 = tpu.memref_squeeze %dma_start3A_68 : memref<1x128x128xf32, #tpu.memory_space<vmem>> -> memref<128x128xf32, #tpu.memory_space<vmem>>
        %dma_start3A_70 = arith.constant 0 : i32
        %dma_start3A_71 = tpu.memref_slice %arg6[%add3A_51, %dma_start3A_70] : memref<10016x128xf32, #tpu.memory_space<vmem_shared>> -> memref<128x128xf32, #tpu.memory_space<vmem_shared>>
        tpu.enqueue_dma source(%dma_start3A_71 : memref<128x128xf32, #tpu.memory_space<vmem_shared>>) target(%dma_start3A_69 : memref<128x128xf32, #tpu.memory_space<vmem>>) target_semaphore(%run_scoped3A_60 : memref<!tpu.dma_semaphore, #tpu.memory_space<semaphore_mem>>)
        %dma_wait3A = arith.constant 0 : i32
        %dma_wait3A_72 = arith.constant 0 : i32
        %dma_wait3A_73 = tpu.memref_slice %arg9[%run_scoped3A_52, %dma_wait3A, %dma_wait3A_72] : memref<2x128x128xf32, #tpu.memory_space<vmem>> -> memref<1x128x128xf32, #tpu.memory_space<vmem>>
        %dma_wait3A_74 = tpu.memref_squeeze %dma_wait3A_73 : memref<1x128x128xf32, #tpu.memory_space<vmem>> -> memref<128x128xf32, #tpu.memory_space<vmem>>
        %dma_wait3A_75 = arith.constant 0 : i32
        %dma_wait3A_76 = tpu.memref_slice %arg6[%add3A_51, %dma_wait3A_75] : memref<10016x128xf32, #tpu.memory_space<vmem_shared>> -> memref<128x128xf32, #tpu.memory_space<vmem_shared>>
        %dma_wait3A_77 = arith.constant 0 : i32
        %dma_wait3A_78 = arith.constant 0 : i32
        %dma_wait3A_79 = tpu.memref_slice %arg9[%run_scoped3A_52, %dma_wait3A_77, %dma_wait3A_78] : memref<2x128x128xf32, #tpu.memory_space<vmem>> -> memref<1x128x128xf32, #tpu.memory_space<vmem>>
        %dma_wait3A_80 = tpu.memref_squeeze %dma_wait3A_79 : memref<1x128x128xf32, #tpu.memory_space<vmem>> -> memref<128x128xf32, #tpu.memory_space<vmem>>
        %dma_wait3A_81 = arith.constant 0 : i32
        %dma_wait3A_82 = tpu.memref_slice %arg6[%add3A_51, %dma_wait3A_81] : memref<10016x128xf32, #tpu.memory_space<vmem_shared>> -> memref<128x128xf32, #tpu.memory_space<vmem_shared>>
        tpu.wait_dma2 semaphore(%run_scoped3A_60 : memref<!tpu.dma_semaphore, #tpu.memory_space<semaphore_mem>>) src(%dma_wait3A_82 : memref<128x128xf32, #tpu.memory_space<vmem_shared>>) dst(%dma_wait3A_80 : memref<128x128xf32, #tpu.memory_space<vmem>>)
        tpu.yield
      }) : () -> ()
      %run_scoped3A_53 = arith.constant 0 : i32
      "tpu.region"() ({
        %run_scoped3A_60 = tpu.sem_alloc : memref<!tpu.dma_semaphore, #tpu.memory_space<semaphore_mem>>
        %dma_start3A = arith.constant 0 : i32
        %dma_start3A_61 = arith.constant 0 : i32
        %dma_start3A_62 = tpu.memref_slice %arg9[%run_scoped3A_53, %dma_start3A, %dma_start3A_61] : memref<2x128x128xf32, #tpu.memory_space<vmem>> -> memref<1x128x128xf32, #tpu.memory_space<vmem>>
        %dma_start3A_63 = tpu.memref_squeeze %dma_start3A_62 : memref<1x128x128xf32, #tpu.memory_space<vmem>> -> memref<128x128xf32, #tpu.memory_space<vmem>>
        %dma_start3A_64 = arith.constant 0 : i32
        %dma_start3A_65 = tpu.memref_slice %arg5[%arg0, %add3A_51, %dma_start3A_64] : memref<2x10000x128xf32, #tpu.memory_space<hbm>> -> memref<1x128x128xf32, #tpu.memory_space<hbm>>
        %dma_start3A_66 = tpu.memref_squeeze %dma_start3A_65 : memref<1x128x128xf32, #tpu.memory_space<hbm>> -> memref<128x128xf32, #tpu.memory_space<hbm>>
        %dma_start3A_67 = arith.constant 0 : i32
        %dma_start3A_68 = tpu.memref_slice %arg5[%arg0, %add3A_51, %dma_start3A_67] : memref<2x10000x128xf32, #tpu.memory_space<hbm>> -> memref<1x128x128xf32, #tpu.memory_space<hbm>>
        %dma_start3A_69 = tpu.memref_squeeze %dma_start3A_68 : memref<1x128x128xf32, #tpu.memory_space<hbm>> -> memref<128x128xf32, #tpu.memory_space<hbm>>
        %dma_start3A_70 = arith.constant 0 : i32
        %dma_start3A_71 = arith.constant 0 : i32
        %dma_start3A_72 = tpu.memref_slice %arg9[%run_scoped3A_53, %dma_start3A_70, %dma_start3A_71] : memref<2x128x128xf32, #tpu.memory_space<vmem>> -> memref<1x128x128xf32, #tpu.memory_space<vmem>>
        %dma_start3A_73 = tpu.memref_squeeze %dma_start3A_72 : memref<1x128x128xf32, #tpu.memory_space<vmem>> -> memref<128x128xf32, #tpu.memory_space<vmem>>
        tpu.enqueue_dma source(%dma_start3A_73 : memref<128x128xf32, #tpu.memory_space<vmem>>) target(%dma_start3A_69 : memref<128x128xf32, #tpu.memory_space<hbm>>) target_semaphore(%run_scoped3A_60 : memref<!tpu.dma_semaphore, #tpu.memory_space<semaphore_mem>>)
        %dma_wait3A = arith.constant 0 : i32
        %dma_wait3A_74 = arith.constant 0 : i32
        %dma_wait3A_75 = tpu.memref_slice %arg9[%run_scoped3A_53, %dma_wait3A, %dma_wait3A_74] : memref<2x128x128xf32, #tpu.memory_space<vmem>> -> memref<1x128x128xf32, #tpu.memory_space<vmem>>
        %dma_wait3A_76 = tpu.memref_squeeze %dma_wait3A_75 : memref<1x128x128xf32, #tpu.memory_space<vmem>> -> memref<128x128xf32, #tpu.memory_space<vmem>>
        %dma_wait3A_77 = arith.constant 0 : i32
        %dma_wait3A_78 = tpu.memref_slice %arg5[%arg0, %add3A_51, %dma_wait3A_77] : memref<2x10000x128xf32, #tpu.memory_space<hbm>> -> memref<1x128x128xf32, #tpu.memory_space<hbm>>
        %dma_wait3A_79 = tpu.memref_squeeze %dma_wait3A_78 : memref<1x128x128xf32, #tpu.memory_space<hbm>> -> memref<128x128xf32, #tpu.memory_space<hbm>>
        %dma_wait3A_80 = arith.constant 0 : i32
        %dma_wait3A_81 = tpu.memref_slice %arg5[%arg0, %add3A_51, %dma_wait3A_80] : memref<2x10000x128xf32, #tpu.memory_space<hbm>> -> memref<1x128x128xf32, #tpu.memory_space<hbm>>
        %dma_wait3A_82 = tpu.memref_squeeze %dma_wait3A_81 : memref<1x128x128xf32, #tpu.memory_space<hbm>> -> memref<128x128xf32, #tpu.memory_space<hbm>>
        %dma_wait3A_83 = arith.constant 0 : i32
        %dma_wait3A_84 = arith.constant 0 : i32
        %dma_wait3A_85 = tpu.memref_slice %arg9[%run_scoped3A_53, %dma_wait3A_83, %dma_wait3A_84] : memref<2x128x128xf32, #tpu.memory_space<vmem>> -> memref<1x128x128xf32, #tpu.memory_space<vmem>>
        %dma_wait3A_86 = tpu.memref_squeeze %dma_wait3A_85 : memref<1x128x128xf32, #tpu.memory_space<vmem>> -> memref<128x128xf32, #tpu.memory_space<vmem>>
        tpu.wait_dma2 semaphore(%run_scoped3A_60 : memref<!tpu.dma_semaphore, #tpu.memory_space<semaphore_mem>>) src(%dma_wait3A_86 : memref<128x128xf32, #tpu.memory_space<vmem>>) dst(%dma_wait3A_82 : memref<128x128xf32, #tpu.memory_space<hbm>>)
        tpu.yield
      }) : () -> ()
      %add3A_54 = arith.constant 624 : i32
      %add3A_55 = arith.addi %multiple_of3A, %add3A_54 : i32
      %sub3A_56 = arith.constant 112 : i32
      %sub3A_57 = arith.subi %add3A_55, %sub3A_56 : i32
      %run_scoped3A_58 = arith.constant 0 : i32
      "tpu.region"() ({
        %run_scoped3A_60 = tpu.sem_alloc : memref<!tpu.dma_semaphore, #tpu.memory_space<semaphore_mem>>
        %dma_start3A = arith.constant 0 : i32
        %dma_start3A_61 = arith.constant 0 : i32
        %dma_start3A_62 = tpu.memref_slice %arg9[%run_scoped3A_58, %dma_start3A, %dma_start3A_61] : memref<2x128x128xf32, #tpu.memory_space<vmem>> -> memref<1x128x128xf32, #tpu.memory_space<vmem>>
        %dma_start3A_63 = tpu.memref_squeeze %dma_start3A_62 : memref<1x128x128xf32, #tpu.memory_space<vmem>> -> memref<128x128xf32, #tpu.memory_space<vmem>>
        %dma_start3A_64 = arith.constant 0 : i32
        %dma_start3A_65 = arith.constant 0 : i32
        %dma_start3A_66 = tpu.memref_slice %dma_start3A_63[%dma_start3A_64, %dma_start3A_65] : memref<128x128xf32, #tpu.memory_space<vmem>> -> memref<112x128xf32, #tpu.memory_space<vmem>>
        %dma_start3A_67 = arith.constant 0 : i32
        %dma_start3A_68 = tpu.memref_slice %arg6[%sub3A_57, %dma_start3A_67] : memref<10016x128xf32, #tpu.memory_space<vmem_shared>> -> memref<112x128xf32, #tpu.memory_space<vmem_shared>>
        %dma_start3A_69 = arith.constant 0 : i32
        %dma_start3A_70 = arith.constant 0 : i32
        %dma_start3A_71 = tpu.memref_slice %arg9[%run_scoped3A_58, %dma_start3A_69, %dma_start3A_70] : memref<2x128x128xf32, #tpu.memory_space<vmem>> -> memref<1x128x128xf32, #tpu.memory_space<vmem>>
        %dma_start3A_72 = tpu.memref_squeeze %dma_start3A_71 : memref<1x128x128xf32, #tpu.memory_space<vmem>> -> memref<128x128xf32, #tpu.memory_space<vmem>>
        %dma_start3A_73 = arith.constant 0 : i32
        %dma_start3A_74 = arith.constant 0 : i32
        %dma_start3A_75 = tpu.memref_slice %dma_start3A_72[%dma_start3A_73, %dma_start3A_74] : memref<128x128xf32, #tpu.memory_space<vmem>> -> memref<112x128xf32, #tpu.memory_space<vmem>>
        %dma_start3A_76 = arith.constant 0 : i32
        %dma_start3A_77 = tpu.memref_slice %arg6[%sub3A_57, %dma_start3A_76] : memref<10016x128xf32, #tpu.memory_space<vmem_shared>> -> memref<112x128xf32, #tpu.memory_space<vmem_shared>>
        tpu.enqueue_dma source(%dma_start3A_77 : memref<112x128xf32, #tpu.memory_space<vmem_shared>>) target(%dma_start3A_75 : memref<112x128xf32, #tpu.memory_space<vmem>>) target_semaphore(%run_scoped3A_60 : memref<!tpu.dma_semaphore, #tpu.memory_space<semaphore_mem>>)
        %dma_wait3A = arith.constant 0 : i32
        %dma_wait3A_78 = arith.constant 0 : i32
        %dma_wait3A_79 = tpu.memref_slice %arg9[%run_scoped3A_58, %dma_wait3A, %dma_wait3A_78] : memref<2x128x128xf32, #tpu.memory_space<vmem>> -> memref<1x128x128xf32, #tpu.memory_space<vmem>>
        %dma_wait3A_80 = tpu.memref_squeeze %dma_wait3A_79 : memref<1x128x128xf32, #tpu.memory_space<vmem>> -> memref<128x128xf32, #tpu.memory_space<vmem>>
        %dma_wait3A_81 = arith.constant 0 : i32
        %dma_wait3A_82 = arith.constant 0 : i32
        %dma_wait3A_83 = tpu.memref_slice %dma_wait3A_80[%dma_wait3A_81, %dma_wait3A_82] : memref<128x128xf32, #tpu.memory_space<vmem>> -> memref<112x128xf32, #tpu.memory_space<vmem>>
        %dma_wait3A_84 = arith.constant 0 : i32
        %dma_wait3A_85 = tpu.memref_slice %arg6[%sub3A_57, %dma_wait3A_84] : memref<10016x128xf32, #tpu.memory_space<vmem_shared>> -> memref<112x128xf32, #tpu.memory_space<vmem_shared>>
        %dma_wait3A_86 = arith.constant 0 : i32
        %dma_wait3A_87 = arith.constant 0 : i32
        %dma_wait3A_88 = tpu.memref_slice %arg9[%run_scoped3A_58, %dma_wait3A_86, %dma_wait3A_87] : memref<2x128x128xf32, #tpu.memory_space<vmem>> -> memref<1x128x128xf32, #tpu.memory_space<vmem>>
        %dma_wait3A_89 = tpu.memref_squeeze %dma_wait3A_88 : memref<1x128x128xf32, #tpu.memory_space<vmem>> -> memref<128x128xf32, #tpu.memory_space<vmem>>
        %dma_wait3A_90 = arith.constant 0 : i32
        %dma_wait3A_91 = arith.constant 0 : i32
        %dma_wait3A_92 = tpu.memref_slice %dma_wait3A_89[%dma_wait3A_90, %dma_wait3A_91] : memref<128x128xf32, #tpu.memory_space<vmem>> -> memref<112x128xf32, #tpu.memory_space<vmem>>
        %dma_wait3A_93 = arith.constant 0 : i32
        %dma_wait3A_94 = tpu.memref_slice %arg6[%sub3A_57, %dma_wait3A_93] : memref<10016x128xf32, #tpu.memory_space<vmem_shared>> -> memref<112x128xf32, #tpu.memory_space<vmem_shared>>
        tpu.wait_dma2 semaphore(%run_scoped3A_60 : memref<!tpu.dma_semaphore, #tpu.memory_space<semaphore_mem>>) src(%dma_wait3A_94 : memref<112x128xf32, #tpu.memory_space<vmem_shared>>) dst(%dma_wait3A_92 : memref<112x128xf32, #tpu.memory_space<vmem>>)
        tpu.yield
      }) : () -> ()
      %run_scoped3A_59 = arith.constant 0 : i32
      "tpu.region"() ({
        %run_scoped3A_60 = tpu.sem_alloc : memref<!tpu.dma_semaphore, #tpu.memory_space<semaphore_mem>>
        %dma_start3A = arith.constant 0 : i32
        %dma_start3A_61 = arith.constant 0 : i32
        %dma_start3A_62 = tpu.memref_slice %arg9[%run_scoped3A_59, %dma_start3A, %dma_start3A_61] : memref<2x128x128xf32, #tpu.memory_space<vmem>> -> memref<1x128x128xf32, #tpu.memory_space<vmem>>
        %dma_start3A_63 = tpu.memref_squeeze %dma_start3A_62 : memref<1x128x128xf32, #tpu.memory_space<vmem>> -> memref<128x128xf32, #tpu.memory_space<vmem>>
        %dma_start3A_64 = arith.constant 0 : i32
        %dma_start3A_65 = arith.constant 0 : i32
        %dma_start3A_66 = tpu.memref_slice %dma_start3A_63[%dma_start3A_64, %dma_start3A_65] : memref<128x128xf32, #tpu.memory_space<vmem>> -> memref<112x128xf32, #tpu.memory_space<vmem>>
        %dma_start3A_67 = arith.constant 0 : i32
        %dma_start3A_68 = tpu.memref_slice %arg5[%arg0, %sub3A_57, %dma_start3A_67] : memref<2x10000x128xf32, #tpu.memory_space<hbm>> -> memref<1x112x128xf32, #tpu.memory_space<hbm>>
        %dma_start3A_69 = tpu.memref_squeeze %dma_start3A_68 : memref<1x112x128xf32, #tpu.memory_space<hbm>> -> memref<112x128xf32, #tpu.memory_space<hbm>>
        %dma_start3A_70 = arith.constant 0 : i32
        %dma_start3A_71 = tpu.memref_slice %arg5[%arg0, %sub3A_57, %dma_start3A_70] : memref<2x10000x128xf32, #tpu.memory_space<hbm>> -> memref<1x112x128xf32, #tpu.memory_space<hbm>>
        %dma_start3A_72 = tpu.memref_squeeze %dma_start3A_71 : memref<1x112x128xf32, #tpu.memory_space<hbm>> -> memref<112x128xf32, #tpu.memory_space<hbm>>
        %dma_start3A_73 = arith.constant 0 : i32
        %dma_start3A_74 = arith.constant 0 : i32
        %dma_start3A_75 = tpu.memref_slice %arg9[%run_scoped3A_59, %dma_start3A_73, %dma_start3A_74] : memref<2x128x128xf32, #tpu.memory_space<vmem>> -> memref<1x128x128xf32, #tpu.memory_space<vmem>>
        %dma_start3A_76 = tpu.memref_squeeze %dma_start3A_75 : memref<1x128x128xf32, #tpu.memory_space<vmem>> -> memref<128x128xf32, #tpu.memory_space<vmem>>
        %dma_start3A_77 = arith.constant 0 : i32
        %dma_start3A_78 = arith.constant 0 : i32
        %dma_start3A_79 = tpu.memref_slice %dma_start3A_76[%dma_start3A_77, %dma_start3A_78] : memref<128x128xf32, #tpu.memory_space<vmem>> -> memref<112x128xf32, #tpu.memory_space<vmem>>
        tpu.enqueue_dma source(%dma_start3A_79 : memref<112x128xf32, #tpu.memory_space<vmem>>) target(%dma_start3A_72 : memref<112x128xf32, #tpu.memory_space<hbm>>) target_semaphore(%run_scoped3A_60 : memref<!tpu.dma_semaphore, #tpu.memory_space<semaphore_mem>>)
        %dma_wait3A = arith.constant 0 : i32
        %dma_wait3A_80 = arith.constant 0 : i32
        %dma_wait3A_81 = tpu.memref_slice %arg9[%run_scoped3A_59, %dma_wait3A, %dma_wait3A_80] : memref<2x128x128xf32, #tpu.memory_space<vmem>> -> memref<1x128x128xf32, #tpu.memory_space<vmem>>
        %dma_wait3A_82 = tpu.memref_squeeze %dma_wait3A_81 : memref<1x128x128xf32, #tpu.memory_space<vmem>> -> memref<128x128xf32, #tpu.memory_space<vmem>>
        %dma_wait3A_83 = arith.constant 0 : i32
        %dma_wait3A_84 = arith.constant 0 : i32
        %dma_wait3A_85 = tpu.memref_slice %dma_wait3A_82[%dma_wait3A_83, %dma_wait3A_84] : memref<128x128xf32, #tpu.memory_space<vmem>> -> memref<112x128xf32, #tpu.memory_space<vmem>>
        %dma_wait3A_86 = arith.constant 0 : i32
        %dma_wait3A_87 = tpu.memref_slice %arg5[%arg0, %sub3A_57, %dma_wait3A_86] : memref<2x10000x128xf32, #tpu.memory_space<hbm>> -> memref<1x112x128xf32, #tpu.memory_space<hbm>>
        %dma_wait3A_88 = tpu.memref_squeeze %dma_wait3A_87 : memref<1x112x128xf32, #tpu.memory_space<hbm>> -> memref<112x128xf32, #tpu.memory_space<hbm>>
        %dma_wait3A_89 = arith.constant 0 : i32
        %dma_wait3A_90 = tpu.memref_slice %arg5[%arg0, %sub3A_57, %dma_wait3A_89] : memref<2x10000x128xf32, #tpu.memory_space<hbm>> -> memref<1x112x128xf32, #tpu.memory_space<hbm>>
        %dma_wait3A_91 = tpu.memref_squeeze %dma_wait3A_90 : memref<1x112x128xf32, #tpu.memory_space<hbm>> -> memref<112x128xf32, #tpu.memory_space<hbm>>
        %dma_wait3A_92 = arith.constant 0 : i32
        %dma_wait3A_93 = arith.constant 0 : i32
        %dma_wait3A_94 = tpu.memref_slice %arg9[%run_scoped3A_59, %dma_wait3A_92, %dma_wait3A_93] : memref<2x128x128xf32, #tpu.memory_space<vmem>> -> memref<1x128x128xf32, #tpu.memory_space<vmem>>
        %dma_wait3A_95 = tpu.memref_squeeze %dma_wait3A_94 : memref<1x128x128xf32, #tpu.memory_space<vmem>> -> memref<128x128xf32, #tpu.memory_space<vmem>>
        %dma_wait3A_96 = arith.constant 0 : i32
        %dma_wait3A_97 = arith.constant 0 : i32
        %dma_wait3A_98 = tpu.memref_slice %dma_wait3A_95[%dma_wait3A_96, %dma_wait3A_97] : memref<128x128xf32, #tpu.memory_space<vmem>> -> memref<112x128xf32, #tpu.memory_space<vmem>>
        tpu.wait_dma2 semaphore(%run_scoped3A_60 : memref<!tpu.dma_semaphore, #tpu.memory_space<semaphore_mem>>) src(%dma_wait3A_98 : memref<112x128xf32, #tpu.memory_space<vmem>>) dst(%dma_wait3A_91 : memref<112x128xf32, #tpu.memory_space<hbm>>)
        tpu.yield
      }) : () -> ()
    } else {
    }
    %eq3A_34 = arith.constant 15 : i32
    %eq3A_35 = arith.cmpi eq, %arg1, %eq3A_34 : i32
    %convert_element_type3A_36 = arith.extui %eq3A_35 : i1 to i32
    %cond3A_37 = arith.constant 0 : i32
    %cond3A_38 = arith.cmpi ne, %convert_element_type3A_36, %cond3A_37 : i32
    scf.if %cond3A_38 {
      %add3A_39 = arith.constant 0 : i32
      %add3A_40 = arith.addi %multiple_of3A, %add3A_39 : i32
      %run_scoped3A = arith.constant 0 : i32
      "tpu.region"() ({
        %run_scoped3A_58 = tpu.sem_alloc : memref<!tpu.dma_semaphore, #tpu.memory_space<semaphore_mem>>
        %dma_start3A = arith.constant 0 : i32
        %dma_start3A_59 = arith.constant 0 : i32
        %dma_start3A_60 = tpu.memref_slice %arg9[%run_scoped3A, %dma_start3A, %dma_start3A_59] : memref<2x128x128xf32, #tpu.memory_space<vmem>> -> memref<1x128x128xf32, #tpu.memory_space<vmem>>
        %dma_start3A_61 = tpu.memref_squeeze %dma_start3A_60 : memref<1x128x128xf32, #tpu.memory_space<vmem>> -> memref<128x128xf32, #tpu.memory_space<vmem>>
        %dma_start3A_62 = arith.constant 0 : i32
        %dma_start3A_63 = tpu.memref_slice %arg6[%add3A_40, %dma_start3A_62] : memref<10016x128xf32, #tpu.memory_space<vmem_shared>> -> memref<128x128xf32, #tpu.memory_space<vmem_shared>>
        %dma_start3A_64 = arith.constant 0 : i32
        %dma_start3A_65 = arith.constant 0 : i32
        %dma_start3A_66 = tpu.memref_slice %arg9[%run_scoped3A, %dma_start3A_64, %dma_start3A_65] : memref<2x128x128xf32, #tpu.memory_space<vmem>> -> memref<1x128x128xf32, #tpu.memory_space<vmem>>
        %dma_start3A_67 = tpu.memref_squeeze %dma_start3A_66 : memref<1x128x128xf32, #tpu.memory_space<vmem>> -> memref<128x128xf32, #tpu.memory_space<vmem>>
        %dma_start3A_68 = arith.constant 0 : i32
        %dma_start3A_69 = tpu.memref_slice %arg6[%add3A_40, %dma_start3A_68] : memref<10016x128xf32, #tpu.memory_space<vmem_shared>> -> memref<128x128xf32, #tpu.memory_space<vmem_shared>>
        tpu.enqueue_dma source(%dma_start3A_69 : memref<128x128xf32, #tpu.memory_space<vmem_shared>>) target(%dma_start3A_67 : memref<128x128xf32, #tpu.memory_space<vmem>>) target_semaphore(%run_scoped3A_58 : memref<!tpu.dma_semaphore, #tpu.memory_space<semaphore_mem>>)
        %dma_wait3A = arith.constant 0 : i32
        %dma_wait3A_70 = arith.constant 0 : i32
        %dma_wait3A_71 = tpu.memref_slice %arg9[%run_scoped3A, %dma_wait3A, %dma_wait3A_70] : memref<2x128x128xf32, #tpu.memory_space<vmem>> -> memref<1x128x128xf32, #tpu.memory_space<vmem>>
        %dma_wait3A_72 = tpu.memref_squeeze %dma_wait3A_71 : memref<1x128x128xf32, #tpu.memory_space<vmem>> -> memref<128x128xf32, #tpu.memory_space<vmem>>
        %dma_wait3A_73 = arith.constant 0 : i32
        %dma_wait3A_74 = tpu.memref_slice %arg6[%add3A_40, %dma_wait3A_73] : memref<10016x128xf32, #tpu.memory_space<vmem_shared>> -> memref<128x128xf32, #tpu.memory_space<vmem_shared>>
        %dma_wait3A_75 = arith.constant 0 : i32
        %dma_wait3A_76 = arith.constant 0 : i32
        %dma_wait3A_77 = tpu.memref_slice %arg9[%run_scoped3A, %dma_wait3A_75, %dma_wait3A_76] : memref<2x128x128xf32, #tpu.memory_space<vmem>> -> memref<1x128x128xf32, #tpu.memory_space<vmem>>
        %dma_wait3A_78 = tpu.memref_squeeze %dma_wait3A_77 : memref<1x128x128xf32, #tpu.memory_space<vmem>> -> memref<128x128xf32, #tpu.memory_space<vmem>>
        %dma_wait3A_79 = arith.constant 0 : i32
        %dma_wait3A_80 = tpu.memref_slice %arg6[%add3A_40, %dma_wait3A_79] : memref<10016x128xf32, #tpu.memory_space<vmem_shared>> -> memref<128x128xf32, #tpu.memory_space<vmem_shared>>
        tpu.wait_dma2 semaphore(%run_scoped3A_58 : memref<!tpu.dma_semaphore, #tpu.memory_space<semaphore_mem>>) src(%dma_wait3A_80 : memref<128x128xf32, #tpu.memory_space<vmem_shared>>) dst(%dma_wait3A_78 : memref<128x128xf32, #tpu.memory_space<vmem>>)
        tpu.yield
      }) : () -> ()
      %run_scoped3A_41 = arith.constant 0 : i32
      "tpu.region"() ({
        %run_scoped3A_58 = tpu.sem_alloc : memref<!tpu.dma_semaphore, #tpu.memory_space<semaphore_mem>>
        %dma_start3A = arith.constant 0 : i32
        %dma_start3A_59 = arith.constant 0 : i32
        %dma_start3A_60 = tpu.memref_slice %arg9[%run_scoped3A_41, %dma_start3A, %dma_start3A_59] : memref<2x128x128xf32, #tpu.memory_space<vmem>> -> memref<1x128x128xf32, #tpu.memory_space<vmem>>
        %dma_start3A_61 = tpu.memref_squeeze %dma_start3A_60 : memref<1x128x128xf32, #tpu.memory_space<vmem>> -> memref<128x128xf32, #tpu.memory_space<vmem>>
        %dma_start3A_62 = arith.constant 0 : i32
        %dma_start3A_63 = tpu.memref_slice %arg5[%arg0, %add3A_40, %dma_start3A_62] : memref<2x10000x128xf32, #tpu.memory_space<hbm>> -> memref<1x128x128xf32, #tpu.memory_space<hbm>>
        %dma_start3A_64 = tpu.memref_squeeze %dma_start3A_63 : memref<1x128x128xf32, #tpu.memory_space<hbm>> -> memref<128x128xf32, #tpu.memory_space<hbm>>
        %dma_start3A_65 = arith.constant 0 : i32
        %dma_start3A_66 = tpu.memref_slice %arg5[%arg0, %add3A_40, %dma_start3A_65] : memref<2x10000x128xf32, #tpu.memory_space<hbm>> -> memref<1x128x128xf32, #tpu.memory_space<hbm>>
        %dma_start3A_67 = tpu.memref_squeeze %dma_start3A_66 : memref<1x128x128xf32, #tpu.memory_space<hbm>> -> memref<128x128xf32, #tpu.memory_space<hbm>>
        %dma_start3A_68 = arith.constant 0 : i32
        %dma_start3A_69 = arith.constant 0 : i32
        %dma_start3A_70 = tpu.memref_slice %arg9[%run_scoped3A_41, %dma_start3A_68, %dma_start3A_69] : memref<2x128x128xf32, #tpu.memory_space<vmem>> -> memref<1x128x128xf32, #tpu.memory_space<vmem>>
        %dma_start3A_71 = tpu.memref_squeeze %dma_start3A_70 : memref<1x128x128xf32, #tpu.memory_space<vmem>> -> memref<128x128xf32, #tpu.memory_space<vmem>>
        tpu.enqueue_dma source(%dma_start3A_71 : memref<128x128xf32, #tpu.memory_space<vmem>>) target(%dma_start3A_67 : memref<128x128xf32, #tpu.memory_space<hbm>>) target_semaphore(%run_scoped3A_58 : memref<!tpu.dma_semaphore, #tpu.memory_space<semaphore_mem>>)
        %dma_wait3A = arith.constant 0 : i32
        %dma_wait3A_72 = arith.constant 0 : i32
        %dma_wait3A_73 = tpu.memref_slice %arg9[%run_scoped3A_41, %dma_wait3A, %dma_wait3A_72] : memref<2x128x128xf32, #tpu.memory_space<vmem>> -> memref<1x128x128xf32, #tpu.memory_space<vmem>>
        %dma_wait3A_74 = tpu.memref_squeeze %dma_wait3A_73 : memref<1x128x128xf32, #tpu.memory_space<vmem>> -> memref<128x128xf32, #tpu.memory_space<vmem>>
        %dma_wait3A_75 = arith.constant 0 : i32
        %dma_wait3A_76 = tpu.memref_slice %arg5[%arg0, %add3A_40, %dma_wait3A_75] : memref<2x10000x128xf32, #tpu.memory_space<hbm>> -> memref<1x128x128xf32, #tpu.memory_space<hbm>>
        %dma_wait3A_77 = tpu.memref_squeeze %dma_wait3A_76 : memref<1x128x128xf32, #tpu.memory_space<hbm>> -> memref<128x128xf32, #tpu.memory_space<hbm>>
        %dma_wait3A_78 = arith.constant 0 : i32
        %dma_wait3A_79 = tpu.memref_slice %arg5[%arg0, %add3A_40, %dma_wait3A_78] : memref<2x10000x128xf32, #tpu.memory_space<hbm>> -> memref<1x128x128xf32, #tpu.memory_space<hbm>>
        %dma_wait3A_80 = tpu.memref_squeeze %dma_wait3A_79 : memref<1x128x128xf32, #tpu.memory_space<hbm>> -> memref<128x128xf32, #tpu.memory_space<hbm>>
        %dma_wait3A_81 = arith.constant 0 : i32
        %dma_wait3A_82 = arith.constant 0 : i32
        %dma_wait3A_83 = tpu.memref_slice %arg9[%run_scoped3A_41, %dma_wait3A_81, %dma_wait3A_82] : memref<2x128x128xf32, #tpu.memory_space<vmem>> -> memref<1x128x128xf32, #tpu.memory_space<vmem>>
        %dma_wait3A_84 = tpu.memref_squeeze %dma_wait3A_83 : memref<1x128x128xf32, #tpu.memory_space<vmem>> -> memref<128x128xf32, #tpu.memory_space<vmem>>
        tpu.wait_dma2 semaphore(%run_scoped3A_58 : memref<!tpu.dma_semaphore, #tpu.memory_space<semaphore_mem>>) src(%dma_wait3A_84 : memref<128x128xf32, #tpu.memory_space<vmem>>) dst(%dma_wait3A_80 : memref<128x128xf32, #tpu.memory_space<hbm>>)
        tpu.yield
      }) : () -> ()
      %add3A_42 = arith.constant 128 : i32
      %add3A_43 = arith.addi %multiple_of3A, %add3A_42 : i32
      %run_scoped3A_44 = arith.constant 0 : i32
      "tpu.region"() ({
        %run_scoped3A_58 = tpu.sem_alloc : memref<!tpu.dma_semaphore, #tpu.memory_space<semaphore_mem>>
        %dma_start3A = arith.constant 0 : i32
        %dma_start3A_59 = arith.constant 0 : i32
        %dma_start3A_60 = tpu.memref_slice %arg9[%run_scoped3A_44, %dma_start3A, %dma_start3A_59] : memref<2x128x128xf32, #tpu.memory_space<vmem>> -> memref<1x128x128xf32, #tpu.memory_space<vmem>>
        %dma_start3A_61 = tpu.memref_squeeze %dma_start3A_60 : memref<1x128x128xf32, #tpu.memory_space<vmem>> -> memref<128x128xf32, #tpu.memory_space<vmem>>
        %dma_start3A_62 = arith.constant 0 : i32
        %dma_start3A_63 = tpu.memref_slice %arg6[%add3A_43, %dma_start3A_62] : memref<10016x128xf32, #tpu.memory_space<vmem_shared>> -> memref<128x128xf32, #tpu.memory_space<vmem_shared>>
        %dma_start3A_64 = arith.constant 0 : i32
        %dma_start3A_65 = arith.constant 0 : i32
        %dma_start3A_66 = tpu.memref_slice %arg9[%run_scoped3A_44, %dma_start3A_64, %dma_start3A_65] : memref<2x128x128xf32, #tpu.memory_space<vmem>> -> memref<1x128x128xf32, #tpu.memory_space<vmem>>
        %dma_start3A_67 = tpu.memref_squeeze %dma_start3A_66 : memref<1x128x128xf32, #tpu.memory_space<vmem>> -> memref<128x128xf32, #tpu.memory_space<vmem>>
        %dma_start3A_68 = arith.constant 0 : i32
        %dma_start3A_69 = tpu.memref_slice %arg6[%add3A_43, %dma_start3A_68] : memref<10016x128xf32, #tpu.memory_space<vmem_shared>> -> memref<128x128xf32, #tpu.memory_space<vmem_shared>>
        tpu.enqueue_dma source(%dma_start3A_69 : memref<128x128xf32, #tpu.memory_space<vmem_shared>>) target(%dma_start3A_67 : memref<128x128xf32, #tpu.memory_space<vmem>>) target_semaphore(%run_scoped3A_58 : memref<!tpu.dma_semaphore, #tpu.memory_space<semaphore_mem>>)
        %dma_wait3A = arith.constant 0 : i32
        %dma_wait3A_70 = arith.constant 0 : i32
        %dma_wait3A_71 = tpu.memref_slice %arg9[%run_scoped3A_44, %dma_wait3A, %dma_wait3A_70] : memref<2x128x128xf32, #tpu.memory_space<vmem>> -> memref<1x128x128xf32, #tpu.memory_space<vmem>>
        %dma_wait3A_72 = tpu.memref_squeeze %dma_wait3A_71 : memref<1x128x128xf32, #tpu.memory_space<vmem>> -> memref<128x128xf32, #tpu.memory_space<vmem>>
        %dma_wait3A_73 = arith.constant 0 : i32
        %dma_wait3A_74 = tpu.memref_slice %arg6[%add3A_43, %dma_wait3A_73] : memref<10016x128xf32, #tpu.memory_space<vmem_shared>> -> memref<128x128xf32, #tpu.memory_space<vmem_shared>>
        %dma_wait3A_75 = arith.constant 0 : i32
        %dma_wait3A_76 = arith.constant 0 : i32
        %dma_wait3A_77 = tpu.memref_slice %arg9[%run_scoped3A_44, %dma_wait3A_75, %dma_wait3A_76] : memref<2x128x128xf32, #tpu.memory_space<vmem>> -> memref<1x128x128xf32, #tpu.memory_space<vmem>>
        %dma_wait3A_78 = tpu.memref_squeeze %dma_wait3A_77 : memref<1x128x128xf32, #tpu.memory_space<vmem>> -> memref<128x128xf32, #tpu.memory_space<vmem>>
        %dma_wait3A_79 = arith.constant 0 : i32
        %dma_wait3A_80 = tpu.memref_slice %arg6[%add3A_43, %dma_wait3A_79] : memref<10016x128xf32, #tpu.memory_space<vmem_shared>> -> memref<128x128xf32, #tpu.memory_space<vmem_shared>>
        tpu.wait_dma2 semaphore(%run_scoped3A_58 : memref<!tpu.dma_semaphore, #tpu.memory_space<semaphore_mem>>) src(%dma_wait3A_80 : memref<128x128xf32, #tpu.memory_space<vmem_shared>>) dst(%dma_wait3A_78 : memref<128x128xf32, #tpu.memory_space<vmem>>)
        tpu.yield
      }) : () -> ()
      %run_scoped3A_45 = arith.constant 0 : i32
      "tpu.region"() ({
        %run_scoped3A_58 = tpu.sem_alloc : memref<!tpu.dma_semaphore, #tpu.memory_space<semaphore_mem>>
        %dma_start3A = arith.constant 0 : i32
        %dma_start3A_59 = arith.constant 0 : i32
        %dma_start3A_60 = tpu.memref_slice %arg9[%run_scoped3A_45, %dma_start3A, %dma_start3A_59] : memref<2x128x128xf32, #tpu.memory_space<vmem>> -> memref<1x128x128xf32, #tpu.memory_space<vmem>>
        %dma_start3A_61 = tpu.memref_squeeze %dma_start3A_60 : memref<1x128x128xf32, #tpu.memory_space<vmem>> -> memref<128x128xf32, #tpu.memory_space<vmem>>
        %dma_start3A_62 = arith.constant 0 : i32
        %dma_start3A_63 = tpu.memref_slice %arg5[%arg0, %add3A_43, %dma_start3A_62] : memref<2x10000x128xf32, #tpu.memory_space<hbm>> -> memref<1x128x128xf32, #tpu.memory_space<hbm>>
        %dma_start3A_64 = tpu.memref_squeeze %dma_start3A_63 : memref<1x128x128xf32, #tpu.memory_space<hbm>> -> memref<128x128xf32, #tpu.memory_space<hbm>>
        %dma_start3A_65 = arith.constant 0 : i32
        %dma_start3A_66 = tpu.memref_slice %arg5[%arg0, %add3A_43, %dma_start3A_65] : memref<2x10000x128xf32, #tpu.memory_space<hbm>> -> memref<1x128x128xf32, #tpu.memory_space<hbm>>
        %dma_start3A_67 = tpu.memref_squeeze %dma_start3A_66 : memref<1x128x128xf32, #tpu.memory_space<hbm>> -> memref<128x128xf32, #tpu.memory_space<hbm>>
        %dma_start3A_68 = arith.constant 0 : i32
        %dma_start3A_69 = arith.constant 0 : i32
        %dma_start3A_70 = tpu.memref_slice %arg9[%run_scoped3A_45, %dma_start3A_68, %dma_start3A_69] : memref<2x128x128xf32, #tpu.memory_space<vmem>> -> memref<1x128x128xf32, #tpu.memory_space<vmem>>
        %dma_start3A_71 = tpu.memref_squeeze %dma_start3A_70 : memref<1x128x128xf32, #tpu.memory_space<vmem>> -> memref<128x128xf32, #tpu.memory_space<vmem>>
        tpu.enqueue_dma source(%dma_start3A_71 : memref<128x128xf32, #tpu.memory_space<vmem>>) target(%dma_start3A_67 : memref<128x128xf32, #tpu.memory_space<hbm>>) target_semaphore(%run_scoped3A_58 : memref<!tpu.dma_semaphore, #tpu.memory_space<semaphore_mem>>)
        %dma_wait3A = arith.constant 0 : i32
        %dma_wait3A_72 = arith.constant 0 : i32
        %dma_wait3A_73 = tpu.memref_slice %arg9[%run_scoped3A_45, %dma_wait3A, %dma_wait3A_72] : memref<2x128x128xf32, #tpu.memory_space<vmem>> -> memref<1x128x128xf32, #tpu.memory_space<vmem>>
        %dma_wait3A_74 = tpu.memref_squeeze %dma_wait3A_73 : memref<1x128x128xf32, #tpu.memory_space<vmem>> -> memref<128x128xf32, #tpu.memory_space<vmem>>
        %dma_wait3A_75 = arith.constant 0 : i32
        %dma_wait3A_76 = tpu.memref_slice %arg5[%arg0, %add3A_43, %dma_wait3A_75] : memref<2x10000x128xf32, #tpu.memory_space<hbm>> -> memref<1x128x128xf32, #tpu.memory_space<hbm>>
        %dma_wait3A_77 = tpu.memref_squeeze %dma_wait3A_76 : memref<1x128x128xf32, #tpu.memory_space<hbm>> -> memref<128x128xf32, #tpu.memory_space<hbm>>
        %dma_wait3A_78 = arith.constant 0 : i32
        %dma_wait3A_79 = tpu.memref_slice %arg5[%arg0, %add3A_43, %dma_wait3A_78] : memref<2x10000x128xf32, #tpu.memory_space<hbm>> -> memref<1x128x128xf32, #tpu.memory_space<hbm>>
        %dma_wait3A_80 = tpu.memref_squeeze %dma_wait3A_79 : memref<1x128x128xf32, #tpu.memory_space<hbm>> -> memref<128x128xf32, #tpu.memory_space<hbm>>
        %dma_wait3A_81 = arith.constant 0 : i32
        %dma_wait3A_82 = arith.constant 0 : i32
        %dma_wait3A_83 = tpu.memref_slice %arg9[%run_scoped3A_45, %dma_wait3A_81, %dma_wait3A_82] : memref<2x128x128xf32, #tpu.memory_space<vmem>> -> memref<1x128x128xf32, #tpu.memory_space<vmem>>
        %dma_wait3A_84 = tpu.memref_squeeze %dma_wait3A_83 : memref<1x128x128xf32, #tpu.memory_space<vmem>> -> memref<128x128xf32, #tpu.memory_space<vmem>>
        tpu.wait_dma2 semaphore(%run_scoped3A_58 : memref<!tpu.dma_semaphore, #tpu.memory_space<semaphore_mem>>) src(%dma_wait3A_84 : memref<128x128xf32, #tpu.memory_space<vmem>>) dst(%dma_wait3A_80 : memref<128x128xf32, #tpu.memory_space<hbm>>)
        tpu.yield
      }) : () -> ()
      %add3A_46 = arith.constant 256 : i32
      %add3A_47 = arith.addi %multiple_of3A, %add3A_46 : i32
      %run_scoped3A_48 = arith.constant 0 : i32
      "tpu.region"() ({
        %run_scoped3A_58 = tpu.sem_alloc : memref<!tpu.dma_semaphore, #tpu.memory_space<semaphore_mem>>
        %dma_start3A = arith.constant 0 : i32
        %dma_start3A_59 = arith.constant 0 : i32
        %dma_start3A_60 = tpu.memref_slice %arg9[%run_scoped3A_48, %dma_start3A, %dma_start3A_59] : memref<2x128x128xf32, #tpu.memory_space<vmem>> -> memref<1x128x128xf32, #tpu.memory_space<vmem>>
        %dma_start3A_61 = tpu.memref_squeeze %dma_start3A_60 : memref<1x128x128xf32, #tpu.memory_space<vmem>> -> memref<128x128xf32, #tpu.memory_space<vmem>>
        %dma_start3A_62 = arith.constant 0 : i32
        %dma_start3A_63 = tpu.memref_slice %arg6[%add3A_47, %dma_start3A_62] : memref<10016x128xf32, #tpu.memory_space<vmem_shared>> -> memref<128x128xf32, #tpu.memory_space<vmem_shared>>
        %dma_start3A_64 = arith.constant 0 : i32
        %dma_start3A_65 = arith.constant 0 : i32
        %dma_start3A_66 = tpu.memref_slice %arg9[%run_scoped3A_48, %dma_start3A_64, %dma_start3A_65] : memref<2x128x128xf32, #tpu.memory_space<vmem>> -> memref<1x128x128xf32, #tpu.memory_space<vmem>>
        %dma_start3A_67 = tpu.memref_squeeze %dma_start3A_66 : memref<1x128x128xf32, #tpu.memory_space<vmem>> -> memref<128x128xf32, #tpu.memory_space<vmem>>
        %dma_start3A_68 = arith.constant 0 : i32
        %dma_start3A_69 = tpu.memref_slice %arg6[%add3A_47, %dma_start3A_68] : memref<10016x128xf32, #tpu.memory_space<vmem_shared>> -> memref<128x128xf32, #tpu.memory_space<vmem_shared>>
        tpu.enqueue_dma source(%dma_start3A_69 : memref<128x128xf32, #tpu.memory_space<vmem_shared>>) target(%dma_start3A_67 : memref<128x128xf32, #tpu.memory_space<vmem>>) target_semaphore(%run_scoped3A_58 : memref<!tpu.dma_semaphore, #tpu.memory_space<semaphore_mem>>)
        %dma_wait3A = arith.constant 0 : i32
        %dma_wait3A_70 = arith.constant 0 : i32
        %dma_wait3A_71 = tpu.memref_slice %arg9[%run_scoped3A_48, %dma_wait3A, %dma_wait3A_70] : memref<2x128x128xf32, #tpu.memory_space<vmem>> -> memref<1x128x128xf32, #tpu.memory_space<vmem>>
        %dma_wait3A_72 = tpu.memref_squeeze %dma_wait3A_71 : memref<1x128x128xf32, #tpu.memory_space<vmem>> -> memref<128x128xf32, #tpu.memory_space<vmem>>
        %dma_wait3A_73 = arith.constant 0 : i32
        %dma_wait3A_74 = tpu.memref_slice %arg6[%add3A_47, %dma_wait3A_73] : memref<10016x128xf32, #tpu.memory_space<vmem_shared>> -> memref<128x128xf32, #tpu.memory_space<vmem_shared>>
        %dma_wait3A_75 = arith.constant 0 : i32
        %dma_wait3A_76 = arith.constant 0 : i32
        %dma_wait3A_77 = tpu.memref_slice %arg9[%run_scoped3A_48, %dma_wait3A_75, %dma_wait3A_76] : memref<2x128x128xf32, #tpu.memory_space<vmem>> -> memref<1x128x128xf32, #tpu.memory_space<vmem>>
        %dma_wait3A_78 = tpu.memref_squeeze %dma_wait3A_77 : memref<1x128x128xf32, #tpu.memory_space<vmem>> -> memref<128x128xf32, #tpu.memory_space<vmem>>
        %dma_wait3A_79 = arith.constant 0 : i32
        %dma_wait3A_80 = tpu.memref_slice %arg6[%add3A_47, %dma_wait3A_79] : memref<10016x128xf32, #tpu.memory_space<vmem_shared>> -> memref<128x128xf32, #tpu.memory_space<vmem_shared>>
        tpu.wait_dma2 semaphore(%run_scoped3A_58 : memref<!tpu.dma_semaphore, #tpu.memory_space<semaphore_mem>>) src(%dma_wait3A_80 : memref<128x128xf32, #tpu.memory_space<vmem_shared>>) dst(%dma_wait3A_78 : memref<128x128xf32, #tpu.memory_space<vmem>>)
        tpu.yield
      }) : () -> ()
      %run_scoped3A_49 = arith.constant 0 : i32
      "tpu.region"() ({
        %run_scoped3A_58 = tpu.sem_alloc : memref<!tpu.dma_semaphore, #tpu.memory_space<semaphore_mem>>
        %dma_start3A = arith.constant 0 : i32
        %dma_start3A_59 = arith.constant 0 : i32
        %dma_start3A_60 = tpu.memref_slice %arg9[%run_scoped3A_49, %dma_start3A, %dma_start3A_59] : memref<2x128x128xf32, #tpu.memory_space<vmem>> -> memref<1x128x128xf32, #tpu.memory_space<vmem>>
        %dma_start3A_61 = tpu.memref_squeeze %dma_start3A_60 : memref<1x128x128xf32, #tpu.memory_space<vmem>> -> memref<128x128xf32, #tpu.memory_space<vmem>>
        %dma_start3A_62 = arith.constant 0 : i32
        %dma_start3A_63 = tpu.memref_slice %arg5[%arg0, %add3A_47, %dma_start3A_62] : memref<2x10000x128xf32, #tpu.memory_space<hbm>> -> memref<1x128x128xf32, #tpu.memory_space<hbm>>
        %dma_start3A_64 = tpu.memref_squeeze %dma_start3A_63 : memref<1x128x128xf32, #tpu.memory_space<hbm>> -> memref<128x128xf32, #tpu.memory_space<hbm>>
        %dma_start3A_65 = arith.constant 0 : i32
        %dma_start3A_66 = tpu.memref_slice %arg5[%arg0, %add3A_47, %dma_start3A_65] : memref<2x10000x128xf32, #tpu.memory_space<hbm>> -> memref<1x128x128xf32, #tpu.memory_space<hbm>>
        %dma_start3A_67 = tpu.memref_squeeze %dma_start3A_66 : memref<1x128x128xf32, #tpu.memory_space<hbm>> -> memref<128x128xf32, #tpu.memory_space<hbm>>
        %dma_start3A_68 = arith.constant 0 : i32
        %dma_start3A_69 = arith.constant 0 : i32
        %dma_start3A_70 = tpu.memref_slice %arg9[%run_scoped3A_49, %dma_start3A_68, %dma_start3A_69] : memref<2x128x128xf32, #tpu.memory_space<vmem>> -> memref<1x128x128xf32, #tpu.memory_space<vmem>>
        %dma_start3A_71 = tpu.memref_squeeze %dma_start3A_70 : memref<1x128x128xf32, #tpu.memory_space<vmem>> -> memref<128x128xf32, #tpu.memory_space<vmem>>
        tpu.enqueue_dma source(%dma_start3A_71 : memref<128x128xf32, #tpu.memory_space<vmem>>) target(%dma_start3A_67 : memref<128x128xf32, #tpu.memory_space<hbm>>) target_semaphore(%run_scoped3A_58 : memref<!tpu.dma_semaphore, #tpu.memory_space<semaphore_mem>>)
        %dma_wait3A = arith.constant 0 : i32
        %dma_wait3A_72 = arith.constant 0 : i32
        %dma_wait3A_73 = tpu.memref_slice %arg9[%run_scoped3A_49, %dma_wait3A, %dma_wait3A_72] : memref<2x128x128xf32, #tpu.memory_space<vmem>> -> memref<1x128x128xf32, #tpu.memory_space<vmem>>
        %dma_wait3A_74 = tpu.memref_squeeze %dma_wait3A_73 : memref<1x128x128xf32, #tpu.memory_space<vmem>> -> memref<128x128xf32, #tpu.memory_space<vmem>>
        %dma_wait3A_75 = arith.constant 0 : i32
        %dma_wait3A_76 = tpu.memref_slice %arg5[%arg0, %add3A_47, %dma_wait3A_75] : memref<2x10000x128xf32, #tpu.memory_space<hbm>> -> memref<1x128x128xf32, #tpu.memory_space<hbm>>
        %dma_wait3A_77 = tpu.memref_squeeze %dma_wait3A_76 : memref<1x128x128xf32, #tpu.memory_space<hbm>> -> memref<128x128xf32, #tpu.memory_space<hbm>>
        %dma_wait3A_78 = arith.constant 0 : i32
        %dma_wait3A_79 = tpu.memref_slice %arg5[%arg0, %add3A_47, %dma_wait3A_78] : memref<2x10000x128xf32, #tpu.memory_space<hbm>> -> memref<1x128x128xf32, #tpu.memory_space<hbm>>
        %dma_wait3A_80 = tpu.memref_squeeze %dma_wait3A_79 : memref<1x128x128xf32, #tpu.memory_space<hbm>> -> memref<128x128xf32, #tpu.memory_space<hbm>>
        %dma_wait3A_81 = arith.constant 0 : i32
        %dma_wait3A_82 = arith.constant 0 : i32
        %dma_wait3A_83 = tpu.memref_slice %arg9[%run_scoped3A_49, %dma_wait3A_81, %dma_wait3A_82] : memref<2x128x128xf32, #tpu.memory_space<vmem>> -> memref<1x128x128xf32, #tpu.memory_space<vmem>>
        %dma_wait3A_84 = tpu.memref_squeeze %dma_wait3A_83 : memref<1x128x128xf32, #tpu.memory_space<vmem>> -> memref<128x128xf32, #tpu.memory_space<vmem>>
        tpu.wait_dma2 semaphore(%run_scoped3A_58 : memref<!tpu.dma_semaphore, #tpu.memory_space<semaphore_mem>>) src(%dma_wait3A_84 : memref<128x128xf32, #tpu.memory_space<vmem>>) dst(%dma_wait3A_80 : memref<128x128xf32, #tpu.memory_space<hbm>>)
        tpu.yield
      }) : () -> ()
      %add3A_50 = arith.constant 384 : i32
      %add3A_51 = arith.addi %multiple_of3A, %add3A_50 : i32
      %run_scoped3A_52 = arith.constant 0 : i32
      "tpu.region"() ({
        %run_scoped3A_58 = tpu.sem_alloc : memref<!tpu.dma_semaphore, #tpu.memory_space<semaphore_mem>>
        %dma_start3A = arith.constant 0 : i32
        %dma_start3A_59 = arith.constant 0 : i32
        %dma_start3A_60 = tpu.memref_slice %arg9[%run_scoped3A_52, %dma_start3A, %dma_start3A_59] : memref<2x128x128xf32, #tpu.memory_space<vmem>> -> memref<1x128x128xf32, #tpu.memory_space<vmem>>
        %dma_start3A_61 = tpu.memref_squeeze %dma_start3A_60 : memref<1x128x128xf32, #tpu.memory_space<vmem>> -> memref<128x128xf32, #tpu.memory_space<vmem>>
        %dma_start3A_62 = arith.constant 0 : i32
        %dma_start3A_63 = tpu.memref_slice %arg6[%add3A_51, %dma_start3A_62] : memref<10016x128xf32, #tpu.memory_space<vmem_shared>> -> memref<128x128xf32, #tpu.memory_space<vmem_shared>>
        %dma_start3A_64 = arith.constant 0 : i32
        %dma_start3A_65 = arith.constant 0 : i32
        %dma_start3A_66 = tpu.memref_slice %arg9[%run_scoped3A_52, %dma_start3A_64, %dma_start3A_65] : memref<2x128x128xf32, #tpu.memory_space<vmem>> -> memref<1x128x128xf32, #tpu.memory_space<vmem>>
        %dma_start3A_67 = tpu.memref_squeeze %dma_start3A_66 : memref<1x128x128xf32, #tpu.memory_space<vmem>> -> memref<128x128xf32, #tpu.memory_space<vmem>>
        %dma_start3A_68 = arith.constant 0 : i32
        %dma_start3A_69 = tpu.memref_slice %arg6[%add3A_51, %dma_start3A_68] : memref<10016x128xf32, #tpu.memory_space<vmem_shared>> -> memref<128x128xf32, #tpu.memory_space<vmem_shared>>
        tpu.enqueue_dma source(%dma_start3A_69 : memref<128x128xf32, #tpu.memory_space<vmem_shared>>) target(%dma_start3A_67 : memref<128x128xf32, #tpu.memory_space<vmem>>) target_semaphore(%run_scoped3A_58 : memref<!tpu.dma_semaphore, #tpu.memory_space<semaphore_mem>>)
        %dma_wait3A = arith.constant 0 : i32
        %dma_wait3A_70 = arith.constant 0 : i32
        %dma_wait3A_71 = tpu.memref_slice %arg9[%run_scoped3A_52, %dma_wait3A, %dma_wait3A_70] : memref<2x128x128xf32, #tpu.memory_space<vmem>> -> memref<1x128x128xf32, #tpu.memory_space<vmem>>
        %dma_wait3A_72 = tpu.memref_squeeze %dma_wait3A_71 : memref<1x128x128xf32, #tpu.memory_space<vmem>> -> memref<128x128xf32, #tpu.memory_space<vmem>>
        %dma_wait3A_73 = arith.constant 0 : i32
        %dma_wait3A_74 = tpu.memref_slice %arg6[%add3A_51, %dma_wait3A_73] : memref<10016x128xf32, #tpu.memory_space<vmem_shared>> -> memref<128x128xf32, #tpu.memory_space<vmem_shared>>
        %dma_wait3A_75 = arith.constant 0 : i32
        %dma_wait3A_76 = arith.constant 0 : i32
        %dma_wait3A_77 = tpu.memref_slice %arg9[%run_scoped3A_52, %dma_wait3A_75, %dma_wait3A_76] : memref<2x128x128xf32, #tpu.memory_space<vmem>> -> memref<1x128x128xf32, #tpu.memory_space<vmem>>
        %dma_wait3A_78 = tpu.memref_squeeze %dma_wait3A_77 : memref<1x128x128xf32, #tpu.memory_space<vmem>> -> memref<128x128xf32, #tpu.memory_space<vmem>>
        %dma_wait3A_79 = arith.constant 0 : i32
        %dma_wait3A_80 = tpu.memref_slice %arg6[%add3A_51, %dma_wait3A_79] : memref<10016x128xf32, #tpu.memory_space<vmem_shared>> -> memref<128x128xf32, #tpu.memory_space<vmem_shared>>
        tpu.wait_dma2 semaphore(%run_scoped3A_58 : memref<!tpu.dma_semaphore, #tpu.memory_space<semaphore_mem>>) src(%dma_wait3A_80 : memref<128x128xf32, #tpu.memory_space<vmem_shared>>) dst(%dma_wait3A_78 : memref<128x128xf32, #tpu.memory_space<vmem>>)
        tpu.yield
      }) : () -> ()
      %run_scoped3A_53 = arith.constant 0 : i32
      "tpu.region"() ({
        %run_scoped3A_58 = tpu.sem_alloc : memref<!tpu.dma_semaphore, #tpu.memory_space<semaphore_mem>>
        %dma_start3A = arith.constant 0 : i32
        %dma_start3A_59 = arith.constant 0 : i32
        %dma_start3A_60 = tpu.memref_slice %arg9[%run_scoped3A_53, %dma_start3A, %dma_start3A_59] : memref<2x128x128xf32, #tpu.memory_space<vmem>> -> memref<1x128x128xf32, #tpu.memory_space<vmem>>
        %dma_start3A_61 = tpu.memref_squeeze %dma_start3A_60 : memref<1x128x128xf32, #tpu.memory_space<vmem>> -> memref<128x128xf32, #tpu.memory_space<vmem>>
        %dma_start3A_62 = arith.constant 0 : i32
        %dma_start3A_63 = tpu.memref_slice %arg5[%arg0, %add3A_51, %dma_start3A_62] : memref<2x10000x128xf32, #tpu.memory_space<hbm>> -> memref<1x128x128xf32, #tpu.memory_space<hbm>>
        %dma_start3A_64 = tpu.memref_squeeze %dma_start3A_63 : memref<1x128x128xf32, #tpu.memory_space<hbm>> -> memref<128x128xf32, #tpu.memory_space<hbm>>
        %dma_start3A_65 = arith.constant 0 : i32
        %dma_start3A_66 = tpu.memref_slice %arg5[%arg0, %add3A_51, %dma_start3A_65] : memref<2x10000x128xf32, #tpu.memory_space<hbm>> -> memref<1x128x128xf32, #tpu.memory_space<hbm>>
        %dma_start3A_67 = tpu.memref_squeeze %dma_start3A_66 : memref<1x128x128xf32, #tpu.memory_space<hbm>> -> memref<128x128xf32, #tpu.memory_space<hbm>>
        %dma_start3A_68 = arith.constant 0 : i32
        %dma_start3A_69 = arith.constant 0 : i32
        %dma_start3A_70 = tpu.memref_slice %arg9[%run_scoped3A_53, %dma_start3A_68, %dma_start3A_69] : memref<2x128x128xf32, #tpu.memory_space<vmem>> -> memref<1x128x128xf32, #tpu.memory_space<vmem>>
        %dma_start3A_71 = tpu.memref_squeeze %dma_start3A_70 : memref<1x128x128xf32, #tpu.memory_space<vmem>> -> memref<128x128xf32, #tpu.memory_space<vmem>>
        tpu.enqueue_dma source(%dma_start3A_71 : memref<128x128xf32, #tpu.memory_space<vmem>>) target(%dma_start3A_67 : memref<128x128xf32, #tpu.memory_space<hbm>>) target_semaphore(%run_scoped3A_58 : memref<!tpu.dma_semaphore, #tpu.memory_space<semaphore_mem>>)
        %dma_wait3A = arith.constant 0 : i32
        %dma_wait3A_72 = arith.constant 0 : i32
        %dma_wait3A_73 = tpu.memref_slice %arg9[%run_scoped3A_53, %dma_wait3A, %dma_wait3A_72] : memref<2x128x128xf32, #tpu.memory_space<vmem>> -> memref<1x128x128xf32, #tpu.memory_space<vmem>>
        %dma_wait3A_74 = tpu.memref_squeeze %dma_wait3A_73 : memref<1x128x128xf32, #tpu.memory_space<vmem>> -> memref<128x128xf32, #tpu.memory_space<vmem>>
        %dma_wait3A_75 = arith.constant 0 : i32
        %dma_wait3A_76 = tpu.memref_slice %arg5[%arg0, %add3A_51, %dma_wait3A_75] : memref<2x10000x128xf32, #tpu.memory_space<hbm>> -> memref<1x128x128xf32, #tpu.memory_space<hbm>>
        %dma_wait3A_77 = tpu.memref_squeeze %dma_wait3A_76 : memref<1x128x128xf32, #tpu.memory_space<hbm>> -> memref<128x128xf32, #tpu.memory_space<hbm>>
        %dma_wait3A_78 = arith.constant 0 : i32
        %dma_wait3A_79 = tpu.memref_slice %arg5[%arg0, %add3A_51, %dma_wait3A_78] : memref<2x10000x128xf32, #tpu.memory_space<hbm>> -> memref<1x128x128xf32, #tpu.memory_space<hbm>>
        %dma_wait3A_80 = tpu.memref_squeeze %dma_wait3A_79 : memref<1x128x128xf32, #tpu.memory_space<hbm>> -> memref<128x128xf32, #tpu.memory_space<hbm>>
        %dma_wait3A_81 = arith.constant 0 : i32
        %dma_wait3A_82 = arith.constant 0 : i32
        %dma_wait3A_83 = tpu.memref_slice %arg9[%run_scoped3A_53, %dma_wait3A_81, %dma_wait3A_82] : memref<2x128x128xf32, #tpu.memory_space<vmem>> -> memref<1x128x128xf32, #tpu.memory_space<vmem>>
        %dma_wait3A_84 = tpu.memref_squeeze %dma_wait3A_83 : memref<1x128x128xf32, #tpu.memory_space<vmem>> -> memref<128x128xf32, #tpu.memory_space<vmem>>
        tpu.wait_dma2 semaphore(%run_scoped3A_58 : memref<!tpu.dma_semaphore, #tpu.memory_space<semaphore_mem>>) src(%dma_wait3A_84 : memref<128x128xf32, #tpu.memory_space<vmem>>) dst(%dma_wait3A_80 : memref<128x128xf32, #tpu.memory_space<hbm>>)
        tpu.yield
      }) : () -> ()
      %add3A_54 = arith.constant 512 : i32
      %add3A_55 = arith.addi %multiple_of3A, %add3A_54 : i32
      %run_scoped3A_56 = arith.constant 0 : i32
      "tpu.region"() ({
        %run_scoped3A_58 = tpu.sem_alloc : memref<!tpu.dma_semaphore, #tpu.memory_space<semaphore_mem>>
        %dma_start3A = arith.constant 0 : i32
        %dma_start3A_59 = arith.constant 0 : i32
        %dma_start3A_60 = tpu.memref_slice %arg9[%run_scoped3A_56, %dma_start3A, %dma_start3A_59] : memref<2x128x128xf32, #tpu.memory_space<vmem>> -> memref<1x128x128xf32, #tpu.memory_space<vmem>>
        %dma_start3A_61 = tpu.memref_squeeze %dma_start3A_60 : memref<1x128x128xf32, #tpu.memory_space<vmem>> -> memref<128x128xf32, #tpu.memory_space<vmem>>
        %dma_start3A_62 = arith.constant 0 : i32
        %dma_start3A_63 = tpu.memref_slice %arg6[%add3A_55, %dma_start3A_62] : memref<10016x128xf32, #tpu.memory_space<vmem_shared>> -> memref<128x128xf32, #tpu.memory_space<vmem_shared>>
        %dma_start3A_64 = arith.constant 0 : i32
        %dma_start3A_65 = arith.constant 0 : i32
        %dma_start3A_66 = tpu.memref_slice %arg9[%run_scoped3A_56, %dma_start3A_64, %dma_start3A_65] : memref<2x128x128xf32, #tpu.memory_space<vmem>> -> memref<1x128x128xf32, #tpu.memory_space<vmem>>
        %dma_start3A_67 = tpu.memref_squeeze %dma_start3A_66 : memref<1x128x128xf32, #tpu.memory_space<vmem>> -> memref<128x128xf32, #tpu.memory_space<vmem>>
        %dma_start3A_68 = arith.constant 0 : i32
        %dma_start3A_69 = tpu.memref_slice %arg6[%add3A_55, %dma_start3A_68] : memref<10016x128xf32, #tpu.memory_space<vmem_shared>> -> memref<128x128xf32, #tpu.memory_space<vmem_shared>>
        tpu.enqueue_dma source(%dma_start3A_69 : memref<128x128xf32, #tpu.memory_space<vmem_shared>>) target(%dma_start3A_67 : memref<128x128xf32, #tpu.memory_space<vmem>>) target_semaphore(%run_scoped3A_58 : memref<!tpu.dma_semaphore, #tpu.memory_space<semaphore_mem>>)
        %dma_wait3A = arith.constant 0 : i32
        %dma_wait3A_70 = arith.constant 0 : i32
        %dma_wait3A_71 = tpu.memref_slice %arg9[%run_scoped3A_56, %dma_wait3A, %dma_wait3A_70] : memref<2x128x128xf32, #tpu.memory_space<vmem>> -> memref<1x128x128xf32, #tpu.memory_space<vmem>>
        %dma_wait3A_72 = tpu.memref_squeeze %dma_wait3A_71 : memref<1x128x128xf32, #tpu.memory_space<vmem>> -> memref<128x128xf32, #tpu.memory_space<vmem>>
        %dma_wait3A_73 = arith.constant 0 : i32
        %dma_wait3A_74 = tpu.memref_slice %arg6[%add3A_55, %dma_wait3A_73] : memref<10016x128xf32, #tpu.memory_space<vmem_shared>> -> memref<128x128xf32, #tpu.memory_space<vmem_shared>>
        %dma_wait3A_75 = arith.constant 0 : i32
        %dma_wait3A_76 = arith.constant 0 : i32
        %dma_wait3A_77 = tpu.memref_slice %arg9[%run_scoped3A_56, %dma_wait3A_75, %dma_wait3A_76] : memref<2x128x128xf32, #tpu.memory_space<vmem>> -> memref<1x128x128xf32, #tpu.memory_space<vmem>>
        %dma_wait3A_78 = tpu.memref_squeeze %dma_wait3A_77 : memref<1x128x128xf32, #tpu.memory_space<vmem>> -> memref<128x128xf32, #tpu.memory_space<vmem>>
        %dma_wait3A_79 = arith.constant 0 : i32
        %dma_wait3A_80 = tpu.memref_slice %arg6[%add3A_55, %dma_wait3A_79] : memref<10016x128xf32, #tpu.memory_space<vmem_shared>> -> memref<128x128xf32, #tpu.memory_space<vmem_shared>>
        tpu.wait_dma2 semaphore(%run_scoped3A_58 : memref<!tpu.dma_semaphore, #tpu.memory_space<semaphore_mem>>) src(%dma_wait3A_80 : memref<128x128xf32, #tpu.memory_space<vmem_shared>>) dst(%dma_wait3A_78 : memref<128x128xf32, #tpu.memory_space<vmem>>)
        tpu.yield
      }) : () -> ()
      %run_scoped3A_57 = arith.constant 0 : i32
      "tpu.region"() ({
        %run_scoped3A_58 = tpu.sem_alloc : memref<!tpu.dma_semaphore, #tpu.memory_space<semaphore_mem>>
        %dma_start3A = arith.constant 0 : i32
        %dma_start3A_59 = arith.constant 0 : i32
        %dma_start3A_60 = tpu.memref_slice %arg9[%run_scoped3A_57, %dma_start3A, %dma_start3A_59] : memref<2x128x128xf32, #tpu.memory_space<vmem>> -> memref<1x128x128xf32, #tpu.memory_space<vmem>>
        %dma_start3A_61 = tpu.memref_squeeze %dma_start3A_60 : memref<1x128x128xf32, #tpu.memory_space<vmem>> -> memref<128x128xf32, #tpu.memory_space<vmem>>
        %dma_start3A_62 = arith.constant 0 : i32
        %dma_start3A_63 = tpu.memref_slice %arg5[%arg0, %add3A_55, %dma_start3A_62] : memref<2x10000x128xf32, #tpu.memory_space<hbm>> -> memref<1x128x128xf32, #tpu.memory_space<hbm>>
        %dma_start3A_64 = tpu.memref_squeeze %dma_start3A_63 : memref<1x128x128xf32, #tpu.memory_space<hbm>> -> memref<128x128xf32, #tpu.memory_space<hbm>>
        %dma_start3A_65 = arith.constant 0 : i32
        %dma_start3A_66 = tpu.memref_slice %arg5[%arg0, %add3A_55, %dma_start3A_65] : memref<2x10000x128xf32, #tpu.memory_space<hbm>> -> memref<1x128x128xf32, #tpu.memory_space<hbm>>
        %dma_start3A_67 = tpu.memref_squeeze %dma_start3A_66 : memref<1x128x128xf32, #tpu.memory_space<hbm>> -> memref<128x128xf32, #tpu.memory_space<hbm>>
        %dma_start3A_68 = arith.constant 0 : i32
        %dma_start3A_69 = arith.constant 0 : i32
        %dma_start3A_70 = tpu.memref_slice %arg9[%run_scoped3A_57, %dma_start3A_68, %dma_start3A_69] : memref<2x128x128xf32, #tpu.memory_space<vmem>> -> memref<1x128x128xf32, #tpu.memory_space<vmem>>
        %dma_start3A_71 = tpu.memref_squeeze %dma_start3A_70 : memref<1x128x128xf32, #tpu.memory_space<vmem>> -> memref<128x128xf32, #tpu.memory_space<vmem>>
        tpu.enqueue_dma source(%dma_start3A_71 : memref<128x128xf32, #tpu.memory_space<vmem>>) target(%dma_start3A_67 : memref<128x128xf32, #tpu.memory_space<hbm>>) target_semaphore(%run_scoped3A_58 : memref<!tpu.dma_semaphore, #tpu.memory_space<semaphore_mem>>)
        %dma_wait3A = arith.constant 0 : i32
        %dma_wait3A_72 = arith.constant 0 : i32
        %dma_wait3A_73 = tpu.memref_slice %arg9[%run_scoped3A_57, %dma_wait3A, %dma_wait3A_72] : memref<2x128x128xf32, #tpu.memory_space<vmem>> -> memref<1x128x128xf32, #tpu.memory_space<vmem>>
        %dma_wait3A_74 = tpu.memref_squeeze %dma_wait3A_73 : memref<1x128x128xf32, #tpu.memory_space<vmem>> -> memref<128x128xf32, #tpu.memory_space<vmem>>
        %dma_wait3A_75 = arith.constant 0 : i32
        %dma_wait3A_76 = tpu.memref_slice %arg5[%arg0, %add3A_55, %dma_wait3A_75] : memref<2x10000x128xf32, #tpu.memory_space<hbm>> -> memref<1x128x128xf32, #tpu.memory_space<hbm>>
        %dma_wait3A_77 = tpu.memref_squeeze %dma_wait3A_76 : memref<1x128x128xf32, #tpu.memory_space<hbm>> -> memref<128x128xf32, #tpu.memory_space<hbm>>
        %dma_wait3A_78 = arith.constant 0 : i32
        %dma_wait3A_79 = tpu.memref_slice %arg5[%arg0, %add3A_55, %dma_wait3A_78] : memref<2x10000x128xf32, #tpu.memory_space<hbm>> -> memref<1x128x128xf32, #tpu.memory_space<hbm>>
        %dma_wait3A_80 = tpu.memref_squeeze %dma_wait3A_79 : memref<1x128x128xf32, #tpu.memory_space<hbm>> -> memref<128x128xf32, #tpu.memory_space<hbm>>
        %dma_wait3A_81 = arith.constant 0 : i32
        %dma_wait3A_82 = arith.constant 0 : i32
        %dma_wait3A_83 = tpu.memref_slice %arg9[%run_scoped3A_57, %dma_wait3A_81, %dma_wait3A_82] : memref<2x128x128xf32, #tpu.memory_space<vmem>> -> memref<1x128x128xf32, #tpu.memory_space<vmem>>
        %dma_wait3A_84 = tpu.memref_squeeze %dma_wait3A_83 : memref<1x128x128xf32, #tpu.memory_space<vmem>> -> memref<128x128xf32, #tpu.memory_space<vmem>>
        tpu.wait_dma2 semaphore(%run_scoped3A_58 : memref<!tpu.dma_semaphore, #tpu.memory_space<semaphore_mem>>) src(%dma_wait3A_84 : memref<128x128xf32, #tpu.memory_space<vmem>>) dst(%dma_wait3A_80 : memref<128x128xf32, #tpu.memory_space<hbm>>)
        tpu.yield
      }) : () -> ()
    } else {
    }
    return
  }
}

module attributes {stable_mosaic.version = 14 : i64} {
  func.func @_add_body(%arg0: i32, %arg1: memref<2x2000x128xf32, #tpu.memory_space<vmem>>, %arg2: memref<2000x128xf32, #tpu.memory_space<vmem>>) attributes {dimension_semantics = [#tpu.dimension_semantics<arbitrary>], iteration_bounds = array<i64: 5>, scalar_prefetch = 0 : i64, scratch_operands = 0 : i64, tpu.core_type = #tpu.core_type<tc>, window_params = [{transform_indices = @transform_0, window_bounds = array<i64: 2, 2000, 128>}, {transform_indices = @transform_1, window_bounds = array<i64: 2000, 128>}]} {
    %get3A = arith.constant 0 : index
    %get3A_0 = arith.constant 0 : index
    %get3A_1 = arith.constant 0 : index
    %get3A_2 = vector.load %arg1[%get3A, %get3A_0, %get3A_1] : memref<2x2000x128xf32, #tpu.memory_space<vmem>>, vector<1x2000x128xf32>
    %get3A_3 = vector.shape_cast %get3A_2 : vector<1x2000x128xf32> to vector<2000x128xf32>
    %get3A_4 = arith.constant 1 : index
    %get3A_5 = arith.constant 0 : index
    %get3A_6 = arith.constant 0 : index
    %get3A_7 = vector.load %arg1[%get3A_4, %get3A_5, %get3A_6] : memref<2x2000x128xf32, #tpu.memory_space<vmem>>, vector<1x2000x128xf32>
    %get3A_8 = vector.shape_cast %get3A_7 : vector<1x2000x128xf32> to vector<2000x128xf32>
    %add3A = arith.addf %get3A_3, %get3A_8 : vector<2000x128xf32>
    %swap3A = arith.constant 0 : index
    %swap3A_9 = arith.constant 0 : index
    %swap3A_10 = vector.load %arg2[%swap3A, %swap3A_9] : memref<2000x128xf32, #tpu.memory_space<vmem>>, vector<2000x128xf32>
    tpu.vector_store %arg2[%swap3A, %swap3A_9], %add3A {strides = array<i32>} : memref<2000x128xf32, #tpu.memory_space<vmem>>, vector<2000x128xf32>,
    return
  }
  func.func @transform_0(%arg0: i32) -> (i32, i32, i32) {
    %c0_i32 = arith.constant 0 : i32
    %c0_i32_0 = arith.constant 0 : i32
    %c0_i32_1 = arith.constant 0 : i32
    return %c0_i32, %arg0, %c0_i32_0 : i32, i32, i32
  }
  func.func @transform_1(%arg0: i32) -> (i32, i32) {
    %c0_i32 = arith.constant 0 : i32
    %c0_i32_0 = arith.constant 0 : i32
    return %arg0, %c0_i32 : i32, i32
  }
}

module attributes {stable_mosaic.version = 14 : i64} {
  func.func @_mlp_body(%arg0: i32, %arg1: memref<1000x256xf32, #tpu.memory_space<vmem>>, %arg2: memref<256x512xf32, #tpu.memory_space<vmem>>, %arg3: memref<512x128xf32, #tpu.memory_space<vmem>>, %arg4: memref<1000x128xf32, #tpu.memory_space<vmem>>) attributes {dimension_semantics = [#tpu.dimension_semantics<arbitrary>], iteration_bounds = array<i64: 10>, scalar_prefetch = 0 : i64, scratch_operands = 0 : i64, tpu.core_type = #tpu.core_type<tc>, window_params = [{transform_indices = @transform_0, window_bounds = array<i64: 1000, 256>}, {pipeline_mode = #tpu.pipeline_mode<synchronous>, transform_indices = @transform_1, window_bounds = array<i64: 256, 512>}, {pipeline_mode = #tpu.pipeline_mode<synchronous>, transform_indices = @transform_2, window_bounds = array<i64: 512, 128>}, {transform_indices = @transform_3, window_bounds = array<i64: 1000, 128>}]} {
    %get3A = arith.constant 0 : index
    %get3A_0 = arith.constant 0 : index
    %get3A_1 = vector.load %arg1[%get3A, %get3A_0] : memref<1000x256xf32, #tpu.memory_space<vmem>>, vector<1000x256xf32>
    %convert_element_type3A = arith.truncf %get3A_1 : vector<1000x256xf32> to vector<1000x256xbf16>
    %get3A_2 = arith.constant 0 : index
    %get3A_3 = arith.constant 0 : index
    %get3A_4 = vector.load %arg2[%get3A_2, %get3A_3] : memref<256x512xf32, #tpu.memory_space<vmem>>, vector<256x512xf32>
    %convert_element_type3A_5 = arith.truncf %get3A_4 : vector<256x512xf32> to vector<256x512xbf16>
    %dot_general3A = arith.constant dense<0.000000e+00> : vector<1000x512xf32>
    %dot_general3A_6 = tpu.matmul %convert_element_type3A, %convert_element_type3A_5, %dot_general3A {dimension_numbers = #tpu.dot_dimension_numbers<[1], [0], [0], [1], [0, 0, 1, 1], [], []>, transpose_lhs_hint = false} : vector<1000x256xbf16>, vector<256x512xbf16>, vector<1000x512xf32> -> vector<1000x512xf32>
    %max3A = arith.constant 0.000000e+00 : f32
    %max3A_7 = vector.broadcast %max3A : f32 to vector<1000x512xf32>
    %max3A_8 = arith.maximumf %dot_general3A_6, %max3A_7 : vector<1000x512xf32>
    %convert_element_type3A_9 = arith.truncf %max3A_8 : vector<1000x512xf32> to vector<1000x512xbf16>
    %get3A_10 = arith.constant 0 : index
    %get3A_11 = arith.constant 0 : index
    %get3A_12 = vector.load %arg3[%get3A_10, %get3A_11] : memref<512x128xf32, #tpu.memory_space<vmem>>, vector<512x128xf32>
    %convert_element_type3A_13 = arith.truncf %get3A_12 : vector<512x128xf32> to vector<512x128xbf16>
    %dot_general3A_14 = arith.constant dense<0.000000e+00> : vector<1000x128xf32>
    %dot_general3A_15 = tpu.matmul %convert_element_type3A_9, %convert_element_type3A_13, %dot_general3A_14 {dimension_numbers = #tpu.dot_dimension_numbers<[1], [0], [0], [1], [0, 0, 1, 1], [], []>, transpose_lhs_hint = false} : vector<1000x512xbf16>, vector<512x128xbf16>, vector<1000x128xf32> -> vector<1000x128xf32>
    %swap3A = arith.constant 0 : index
    %swap3A_16 = arith.constant 0 : index
    %swap3A_17 = vector.load %arg4[%swap3A, %swap3A_16] : memref<1000x128xf32, #tpu.memory_space<vmem>>, vector<1000x128xf32>
    tpu.vector_store %arg4[%swap3A, %swap3A_16], %dot_general3A_15 {strides = array<i32>} : memref<1000x128xf32, #tpu.memory_space<vmem>>, vector<1000x128xf32>,
    return
  }
  func.func @transform_0(%arg0: i32) -> (i32, i32) {
    %c0_i32 = arith.constant 0 : i32
    %c0_i32_0 = arith.constant 0 : i32
    return %arg0, %c0_i32 : i32, i32
  }
  func.func @transform_1(%arg0: i32) -> (i32, i32) {
    %c0_i32 = arith.constant 0 : i32
    %c0_i32_0 = arith.constant 0 : i32
    %c0_i32_1 = arith.constant 0 : i32
    return %c0_i32, %c0_i32_0 : i32, i32
  }
  func.func @transform_2(%arg0: i32) -> (i32, i32) {
    %c0_i32 = arith.constant 0 : i32
    %c0_i32_0 = arith.constant 0 : i32
    %c0_i32_1 = arith.constant 0 : i32
    return %c0_i32, %c0_i32_0 : i32, i32
  }
  func.func @transform_3(%arg0: i32) -> (i32, i32) {
    %c0_i32 = arith.constant 0 : i32
    %c0_i32_0 = arith.constant 0 : i32
    return %arg0, %c0_i32 : i32, i32
  }
}

</mosaic_0001>

<sc_bundles>
// kernel: kernel.5.cloned.1.call-start
scs
__scs_entry_jumppad:
0x0: {  	(pc) =	sbr.rel $0x88, $3  }
0x1: {  	(tag) =	ssettag $0x0;
	lr =	simm.s32 $0x1  }
0x2: {  	[smem:$0x3F9D] =	sst lr;
	_ =	strace $0xD0000000  }
0x3: {  	_ = 	snop  }
0x4: {  	_ = 	snop  }
0x5: {  	_ = 	snop  }
0x6: {  	_ = 	snop  }
0x7: {  	_ = 	snop  }
__scs_overlays_trampoline_lowered:
0x8: {  	[smem:$0x3FAC] =	sst s0  }
0x9: {  	[smem:$0x3FAD] =	sst s1  }
0xa: {  	[smem:$0x3FAE] =	sst s2  }
0xb: {  	[smem:$0x3FAF] =	sst s3  }
0xc: {  	[smem:$0x3FB0] =	sst s4  }
0xd: {  	[smem:$0x3FB1] =	sst s5  }
0xe: {  	[smem:$0x3FB2] =	sst s6  }
0xf: {  	[smem:$0x3FB3] =	sst s7  }
0x10: {  	[smem:$0x3FB4] =	sst s8  }
0x11: {  	[smem:$0x3FB5] =	sst s9;
	s0 =	simm.s32 @!p0 $0x0  }
0x12: {  	s1 =	sld [smem:$0x3F9B];
	s0 =	simm.s32 @p0 $0x1  }
0x13: {  	[smem:$0x3FB6] =	sst s0;
	s0 =	simm.s32 @!p1 $0x0  }
0x14: {  	s2 =	sld [smem:$0x3F9A];
	s0 =	simm.s32 @p1 $0x1  }
0x15: {  	[smem:$0x3FB7] =	sst s0;
	s0 =	simm.s32 @!p2 $0x0  }
0x16: {  	s3 =	sld [smem:$0x3FDB];
	s0 =	simm.s32 @p2 $0x1  }
0x17: {  	s4 =	simm.s32 $0x1BF5;
	[smem:$0x3FB9] =	sst s0  }
0x18: {  	s0 =	sld [smem:$0x3F9C];
	_ =	swait.ge [sflag:s4], $0x0  }
0x19: {  	s7 =	sld [smem:$0x3F9D]  }
0x1a: {  	s8 =	sadd.s32 $0xFFFFE003, lr  }
0x1b: {  	s9 =	sadd.s32 $0xFFFFFEF7, lr;
	s5 =	simm.s32 $0xFFFFFFFF;
	p2 =	slt.u32 s8, $0xFFFFF086  }
0x1c: {  	p1 =	slt.u32 s9, $0xF7A;
	s5 =	simm.s32 @!p2 $0x0  }
0x1d: {  	s5 =	simm.s32 @p1 $0x1;
	p0 =	seq.s32 s7, s2  }
0x1e: {  	s7 =	smul.u32 @!p0 $0xF7A, s2;
	p2 =	seq.s32 @!p0 s5, $0x0  }
0x1f: {  	s9 =	smul.u32 $0xF7A, s1;
	s8 =	simm.s32 @!p0 $0x1BF5;
	p2 =	por !p2, p0  }
0x20: {  	[sflag:s8] =	ssyncset.s32 @!p0 $0xFFFFF086;
	s6 =	sadd.s32 @!p0 s3, s7;
	s7 =	simm.s32 @!p0 $0x108  }
0x21: {  	s3 =	sadd.s32 s3, s9;
	s6 =	sadd.s32 @!p0 $0x88, s6;
	s7 =	simm.s32 @p2 $0x1082  }
0x22: {  	[simem:s7], [sflag:s8] =	dma.local @!p0 [hbm:s6], $0xF7A  }
0x23: {  	s9 =	sor.u32 $0xD0000000, s2;
	s6 =	simm.s32 $0x108;
	_ =	swait.ge @!p0 [sflag:s8], $0x0  }
0x24: {  	s3 =	sadd.s32 $0x88, s3;
	s6 =	simm.s32 @!p1 $0x1082;
	[sflag:s4] =	ssyncset.s32 $0xFFFFF086  }
0x25: {  	[simem:s6], [sflag:s4] =	dma.local [hbm:s3], $0xF7A  }
0x26: {  	[smem:$0x3F9D] =	sst s1;
	(tag) =	ssettag s2;
	_ =	strace s9  }
0x27: {  	s1 =	sld [smem:$0x3FAD]  }
0x28: {  	s2 =	sld [smem:$0x3FAE]  }
0x29: {  	s4 =	sld [smem:$0x3FB0]  }
0x2a: {  	p0 =	seq.s32 s5, $0x0;
	s5 =	sld [smem:$0x3FB1]  }
0x2b: {  	s6 =	sld [smem:$0x3FB2]  }
0x2c: {  	s7 =	sld [smem:$0x3FB3]  }
0x2d: {  	s3 =	simm.s32 $0x108;
	s8 =	sld [smem:$0x3FB4]  }
0x2e: {  	s3 =	simm.s32 @!p0 $0x1082;
	s9 =	sld [smem:$0x3FB5]  }
0x2f: {  	lr =	sadd.s32 s0, s3;
	s0 =	sld [smem:$0x3FAC]  }
0x30: {  	s3 =	sld [smem:$0x3FAF]  }
0x31: {  	[smem:$0x3FB8] =	sst s10  }
0x32: {  	s10 =	sld [smem:$0x3FB6];
	_ =	sdelay $0x3  }
0x33: {  	p0 =	seq.s32 s10, $0x1;
	s10 =	sld [smem:$0x3FB8];
	_ =	sdelay $0x3  }
0x34: {  	[smem:$0x3FB8] =	sst s10  }
0x35: {  	s10 =	sld [smem:$0x3FB7];
	_ =	sdelay $0x3  }
0x36: {  	p1 =	seq.s32 s10, $0x1;
	s10 =	sld [smem:$0x3FB8];
	_ =	sdelay $0x3  }
0x37: {  	[smem:$0x3FB8] =	sst s10  }
0x38: {  	s10 =	sld [smem:$0x3FB9]  }
0x39: {  	_ = 	snop;
	(pc) =	sbr.ind lr, $3  }
0x3a: {  	_ = 	snop  }
0x3b: {  	_ = 	snop  }
0x3c: {  	p2 =	seq.s32 s10, $0x1;
	s10 =	sld [smem:$0x3FB8]  }
0x3d: {  	_ =	shalt  }
0x3e: {  	_ =	shalt  }
0x3f: {  	_ =	shalt  }
0x40: {  	_ =	shalt  }
0x41: {  	_ =	shalt  }
0x42: {  	_ =	shalt  }
0x43: {  	_ =	shalt  }
0x44: {  	_ =	shalt  }
0x45: {  	_ =	shalt  }
0x46: {  	_ =	shalt  }
0x47: {  	_ =	shalt  }
0x48: {  	_ =	shalt  }
0x49: {  	_ =	shalt  }
0x4a: {  	_ =	shalt  }
0x4b: {  	_ =	shalt  }
0x4c: {  	_ =	shalt  }
0x4d: {  	_ =	shalt  }
0x4e: {  	_ =	shalt  }
0x4f: {  	_ =	shalt  }
0x50: {  	_ =	shalt  }
0x51: {  	_ =	shalt  }
0x52: {  	_ =	shalt  }
0x53: {  	_ =	shalt  }
0x54: {  	_ =	shalt  }
0x55: {  	_ =	shalt  }
0x56: {  	_ =	shalt  }
0x57: {  	_ =	shalt  }
0x58: {  	_ =	shalt  }
0x59: {  	_ =	shalt  }
0x5a: {  	_ =	shalt  }
0x5b: {  	_ =	shalt  }
0x5c: {  	_ =	shalt  }
0x5d: {  	_ =	shalt  }
0x5e: {  	_ =	shalt  }
0x5f: {  	_ =	shalt  }
0x60: {  	_ =	shalt  }
0x61: {  	_ =	shalt  }
0x62: {  	_ =	shalt  }
0x63: {  	_ =	shalt  }
0x64: {  	_ =	shalt  }
0x65: {  	_ =	shalt  }
0x66: {  	_ =	shalt  }
0x67: {  	_ =	shalt  }
0x68: {  	_ =	shalt  }
0x69: {  	_ =	shalt  }
0x6a: {  	_ =	shalt  }
0x6b: {  	_ =	shalt  }
0x6c: {  	_ =	shalt  }
0x6d: {  	_ =	shalt  }
0x6e: {  	_ =	shalt  }
0x6f: {  	_ =	shalt  }
0x70: {  	_ =	shalt  }
0x71: {  	_ =	shalt  }
0x72: {  	_ =	shalt  }
0x73: {  	_ =	shalt  }
0x74: {  	_ =	shalt  }
0x75: {  	_ =	shalt  }
0x76: {  	_ =	shalt  }
0x77: {  	_ =	shalt  }
0x78: {  	_ =	shalt  }
0x79: {  	_ =	shalt  }
0x7a: {  	_ =	shalt  }
0x7b: {  	_ =	shalt  }
0x7c: {  	_ =	shalt  }
0x7d: {  	_ =	shalt  }
0x7e: {  	_ =	shalt  }
0x7f: {  	_ =	shalt  }
0x80: {  	_ =	shalt  }
0x81: {  	_ =	shalt  }
0x82: {  	_ =	shalt  }
0x83: {  	_ =	shalt  }
0x84: {  	_ =	shalt  }
0x85: {  	_ =	shalt  }
0x86: {  	_ =	shalt  }
0x87: {  	_ =	shalt  }
.Lfunc_end0:
.L_simem_size_0:
called_computation_lowered:
.L_overlay_start_0:
0x88: {  	s2 =	sld [smem:$0x3FD9]  }
0x89: {  	s3 =	sld [smem:$0x3FFE];
	_ =	sdelay $0x1  }
0x8a: {  	s1 =	srdreg.scid  }
0x8b: {  	s0 =	sand.u32 $0x1, s1  }
0x8c: {  	s17 =	sshll.u32 s0, $0xA;
	s2 =	sadd.s32 s3, s2  }
0x8d: {  	s2 =	sadd.s32 s2, s17  }
0x8e: {  	[smem:$0x3FC4] =	sst s2  }
0x8f: {  	_ = 	snop  }
0x90: {  	s2 =	sld [smem:$0x3FD0];
	(tm) =	ssettm $0x1  }
0x91: {  	s18 =	sld [smem:$0x3FFB];
	_ =	sdelay $0x3  }
0x92: {  	_ =	strace s18  }
0x93: {  	s3 =	sld [smem:$0x3FFC];
	_ =	sdelay $0x3  }
0x94: {  	_ =	strace s3  }
0x95: {  	s3 =	sld [smem:$0x3FFD];
	_ =	sdelay $0x3  }
0x96: {  	_ =	strace s3  }
0x97: {  	_ =	strace $0x8FFFFFFF  }
0x98: {  	s19 =	sld [smem:$0x3FDB];
	_ =	sdelay $0x1  }
0x99: {  	s4 =	simm.s32 $_scs_section_size  }
0x9a: {  	s5 =	simm.s32 $_size__tile_overlayer_lowered;
	s6 =	simm.s32 $_tile_overlayer_lowered  }
0x9b: {  	s22 =	simm.s32 $0x1BFF;
	s21 =	sshll.u32 s6, $0x1;
	s3 =	sadd.s32 s4, s19  }
0x9c: {  	s7 =	simm.s32 $0x0;
	s20 =	sshll.u32 s5, $0x1;
	s5 =	sadd.s32 s21, s3  }
0x9d: {  	[timem:s7], [sflag:s22] =	dma.local [hbm:s5], s20  }
0x9e: {  	_ =	swait.ge [sflag:s22], s20  }
0x9f: {  	s4 =	ssub.s32 $0x0, s20;
	[sflag:s22] =	ssyncset.done $0x0  }
0xa0: {  	[sflag:s22] =	ssyncadd.s32 s4;
	_ =	sdelay $0x1  }
0xa1: {  	s23 =	simm.s32 $0x1B8B  }
0xa2: {  	_ =	swait.ge [sflag:s23], $0x1  }
0xa3: {  	[sflag:s23] =	ssyncset.done $0x0  }
0xa4: {  	s25 =	simm.s32 $0x1B8E;
	s24 =	sld [smem:$0x3FFE];
	[sflag:s23] =	ssyncadd.s32 $0xFFFFFFFF  }
0xa5: {  	s26 =	simm.s32 $execute0_lowered;
	[smem:$0x3FD2] =	sst s25  }
0xa6: {  	s5 =	sshll.u32 s26, $0x1;
	_ =	strace $0x80000046;
	[dreg:$0x1] =	wrdreg $0xFFFFFFFF  }
0xa7: {  	s28 =	simm.s32 $_size_execute0_lowered;
	s3 =	sadd.s32 s3, s5;
	[dreg:$0x0] =	wrdreg $0x0  }
0xa8: {  	s5 =	sshll.u32 s28, $0x1;
	[dreg:$0x2] =	wrdreg s3  }
0xa9: {  	[dreg:$0x3] =	wrdreg s5  }
0xaa: {  	[dreg:$0x4] =	wrdreg $0xC0  }
0xab: {  	_ =	task [dreg:s7], $0x5FFFF  }
0xac: {  	[dreg:$0x1] =	wrdreg $0xFFFFFFFF  }
0xad: {  	[dreg:$0x0] =	wrdreg $0x60  }
0xae: {  	[dreg:$0x2] =	wrdreg s2  }
0xaf: {  	[dreg:$0x3] =	wrdreg s24  }
0xb0: {  	[dreg:$0x4] =	wrdreg $0x0  }
0xb1: {  	[dreg:$0x5] =	wrdreg $0x9  }
0xb2: {  	_ =	task.clear_ibuf [dreg:s7], $0x6FFFF;
	_ =	strace $0x90000046  }
0xb3: {  	s29 =	simm.s32 $0x9;
	_ =	strace $0x80000048  }
0xb4: {  	_ =	swait.ge [sflag:s29], $0x1  }
0xb5: {  	[sflag:s29] =	ssyncadd.s32 $0xFFFFFFFF  }
0xb6: {  	_ =	strace $0x90000048  }
0xb7: {  	_ =	sfence  }
0xb8: {  	s30 =	sld [smem:$0x0];
	_ =	sdelay $0x2  }
0xb9: {  	s31 =	sshll.u32 s1, $0xD;
	s1 =	sshrl.u32 s1, $0x2  }
0xba: {  	s3 =	sand.u32 $0x4000, s31;
	s1 =	sadd.s32 s1, s30  }
0xbb: {  	s0 =	sor.u32 s3, s0;
	s1 =	sshll.u32 s1, $0x11  }
0xbc: {  	s0 =	sor.u32 s1, s0  }
0xbd: {  	s0 =	sadd.s32 $0x8F2B, s0  }
0xbe: {  	[sflag:s0] =	ssyncadd.remote.s32 $0x1  }
0xbf: {  	_ =	sfence.sel $0xFFFF  }
0xc0: {  	[dreg:$0x0] =	wrdreg $0xFFFFFFFF;
	(pc) =	sbr.abs _section_cstart, $3  }
0xc1: {  	[dreg:$0x1] =	wrdreg $0xFFFFFFFF  }
0xc2: {  	_ =	task.clear_ibuf [dreg:s7], $0x2FFFF;
	_ =	strace $0x9FFFFFFF  }
0xc3: {  	(tm) =	ssettm $0x7FFFFFFF  }
tec
execute0_lowered:
.L_overlay_start_1:
0x0: {  	(tag) =	ssettag $0x1  }
0x1: {  	s1 =	rddreg [dreg:$0x0]  }
0x2: {  	s0 =	srdreg.scid;
	s2 =	rddreg [dreg:$0x1]  }
0x3: {  	s11 =	stileid.u32;
	s3 =	rddreg [dreg:$0x2]  }
0x4: {  	s6 =	simm.s32 $0x0;
	s0 =	sand.u32 $0x1, s0;
	s13 =	smul.u32 $0x4E000, s11  }
0x5: {  	[smem:$0x7FF] =	sst s6;
	s14 =	smul.u32 $0x13800, s11;
	s28 =	sadd.s32 $0x128800, s3  }
0x6: {  	s4 =	sshll.u32 s11, $0x1;
	s30 =	sadd.s32 $0x12C800, s3;
	s31 =	sadd.s32 $0x130800, s3  }
0x7: {  	s4 =	sor.u32 s0, s4;
	s7 =	ssub.s32 $0x2, s0;
	s0 =	smul.u32 $0x138800, s0  }
0x8: {  	p0 =	seq.s32 s11, $0xF;
	_ =	strace $0x80000047;
	s5 =	smul.u32 $0x280, s4  }
0x9: {  	s4 =	smul.u32 $0xFFFFFFD8, s4;
	s8 =	sshrl.u32 s7, $0x1;
	s18 =	sadd.s32 $0x4000, s14  }
0xa: {  	s22 =	sadd.s32 $0x8000, s14;
	s24 =	sadd.s32 $0xC000, s14;
	s26 =	sadd.s32 $0x10000, s14  }
0xb: {  	s7 =	ssub.s32 s7, s8;
	s17 =	sadd.s32 s14, s0;
	s20 =	sadd.s32 s0, s18  }
0xc: {  	s23 =	sadd.s32 s0, s22;
	s25 =	sadd.s32 s24, s3;
	s8 =	sadd.s32 s0, s26  }
0xd: {  	s12 =	sadd.s32 s5, s2;
	s2 =	sadd.s32 $0xA800, s2;
	s5 =	sshrl.u32 s13, $0x2  }
0xe: {  	s10 =	sadd.s32 $0x4E2, s4;
	[dreg:$0xd] =	wrdreg s25;
	s9 =	sadd.s32 $0x5800, s12  }
0xf: {  	s19 =	sshrl.u32 s17, $0x3;
	s6 =	sadd.s32 $0x800, s12;
	[dreg:$0x4] =	wrdreg s9  }
0x10: {  	s5 =	sadd.s32 s5, s3;
	s4 =	sadd.s32 s2, s19;
	[dreg:$0x5] =	wrdreg s6  }
0x11: {  	s21 =	sshrl.u32 s20, $0x3;
	s15 =	sadd.s32 $0x4000, s5;
	[dreg:$0x8] =	wrdreg s4  }
0x12: {  	s8 =	sshrl.u32 s8, $0x3;
	s16 =	sadd.s32 $0x8000, s5;
	[dreg:$0x6] =	wrdreg s15  }
0x13: {  	s25 =	sadd.s32 s26, s3;
	s9 =	sadd.s32 s18, s3;
	[dreg:$0x7] =	wrdreg s16  }
0x14: {  	s26 =	sadd.s32 $0x124800, s3;
	s4 =	sadd.s32 s2, s21;
	[dreg:$0x9] =	wrdreg s9  }
0x15: {  	s29 =	smax.u32 s7, $0x1;
	s6 =	sadd.s32 s22, s3;
	[dreg:$0xa] =	wrdreg s4  }
0x16: {  	s18 =	sadd.s32 s2, s8;
	[dreg:$0xb] =	wrdreg s6;
	s4 =	sshrl.u32 s23, $0x3  }
0x17: {  	s6 =	sadd.s32 s0, s24;
	s0 =	sshrl.u32 s0, $0x3;
	s24 =	sadd.s32 $0xC000, s5  }
0x18: {  	s4 =	sadd.s32 s2, s4;
	s6 =	sshrl.u32 s6, $0x3;
	s0 =	sadd.s32 s2, s0  }
0x19: {  	[dreg:$0xc] =	wrdreg s4;
	s6 =	sadd.s32 s2, s6;
	s19 =	sadd.s32 $0x24900, s0  }
0x1a: {  	s20 =	sadd.s32 $0x25100, s0;
	s21 =	sadd.s32 $0x25900, s0;
	s22 =	sadd.s32 $0x26100, s0  }
0x1b: {  	s23 =	sadd.s32 $0x26900, s0;
	s2 =	sadd.s32 $0x10000, s5;
	s0 =	sadd.s32 $0x134800, s3  }
0x1c: {  	v0 =	vimm.f32 $0.0e+00;
	s4 =	simm.s32 $0x3;
	[dreg:$0xe] =	wrdreg s6;
	s6 =	simm.s32 $0x0  }
.LBB2_1:
0x1d: {  	s7 =	simm.s32 $0x0;
	s8 =	rddreg [dreg:$0x4];
	s9 =	simm.s32 $0x13900  }
0x1e: {  	[tilespmem:s9], [sflag:$0x3] =	stream.linear.gather [hbm4b:s8+s7], $0x1400, $0x38;
	[tilespmem:$0x1E100] =	vst v63  }
0x1f: {  	_ =	swait.ge [sflag:s4], $0x1400  }
0x20: {  	[sflag:s4] =	ssyncset.done $0x0  }
0x21: {  	s17 =	simm.s32 $0x14D00;
	s16 =	rddreg [dreg:$0x5];
	[sflag:s4] =	ssyncadd.s32 $0xFFFFEC00  }
0x22: {  	[tilespmem:s17], [sflag:$0x3] =	stream.linear.gather [hbm4b:s16+s7], $0x1400, $0x38;
	[tilespmem:$0x1E100] =	vst v63  }
0x23: {  	_ =	swait.ge [sflag:s4], $0x1400  }
0x24: {  	[sflag:s4] =	ssyncset.done $0x0  }
0x25: {  	s8 =	simm.s32 $0x200;
	s7 =	simm.s32 $0x0;
	[sflag:s4] =	ssyncadd.s32 $0xFFFFEC00  }
.LBB2_2:
0x26: {  	p1 =	sne.s32 s8, $0xFE00;
	[tilespmem:s7+$0x16170] =	vst v0  }
0x27: {  	[tilespmem:s7+$0x16100] =	vst v0  }
0x28: {  	[tilespmem:s7+$0x16110] =	vst v0  }
.Ltmp0:
0x29: {  	[tilespmem:s7+$0x16120] =	vst v0;
	(pc) =	sbr.rel @p1 .LBB2_2-.Ltmp0, $4  }
0x2a: {  	[tilespmem:s7+$0x16130] =	vst v0  }
0x2b: {  	[tilespmem:s7+$0x16140] =	vst v0  }
0x2c: {  	[tilespmem:s7+$0x16150] =	vst v0  }
0x2d: {  	[tilespmem:s7+$0x16160] =	vst v0;
	s7 =	sshra.s32 s8, $0x2;
	s8 =	sadd.s32 $0x200, s8  }
0x2e: {  	[tilespmem:s7+$0x16170] =	vst v0  }
0x2f: {  	[tilespmem:s7+$0x16100] =	vst v0  }
0x30: {  	[tilespmem:s7+$0x16110] =	vst v0  }
0x31: {  	[tilespmem:s7+$0x16120] =	vst v0  }
0x32: {  	[tilespmem:s7+$0x16130] =	vst v0  }
0x33: {  	[tilespmem:s7+$0x16140] =	vst v0  }
0x34: {  	[tilespmem:s7+$0x16150] =	vst v0  }
0x35: {  	[tilespmem:s7+$0x16160] =	vst v0;
	s7 =	simm.s32 @p0 $0x16100;
	s8 =	simm.s32 @p0 $0x3  }
0x36: {  	[spmem:s26] =	stream.linear.scatter @p0 [tilespmem:s7], [sflag:$0x3], $0x4000, $0x38;
	[tilespmem:$0x1E100] =	vst v63  }
0x37: {  	_ =	swait.ge @p0 [sflag:s8], $0x4000  }
0x38: {  	[sflag:s8] =	ssyncset.done @p0 $0x0  }
0x39: {  	[sflag:s8] =	ssyncadd.s32 @p0 $0xFFFFC000  }
0x3a: {  	[spmem:s28] =	stream.linear.scatter @p0 [tilespmem:s7], [sflag:$0x3], $0x4000, $0x38;
	[tilespmem:$0x1E100] =	vst v63  }
0x3b: {  	_ =	swait.ge @p0 [sflag:s8], $0x4000  }
0x3c: {  	[sflag:s8] =	ssyncset.done @p0 $0x0  }
0x3d: {  	[sflag:s8] =	ssyncadd.s32 @p0 $0xFFFFC000  }
0x3e: {  	[spmem:s30] =	stream.linear.scatter @p0 [tilespmem:s7], [sflag:$0x3], $0x4000, $0x38;
	[tilespmem:$0x1E100] =	vst v63  }
0x3f: {  	_ =	swait.ge @p0 [sflag:s8], $0x4000  }
0x40: {  	[sflag:s8] =	ssyncset.done @p0 $0x0  }
0x41: {  	[sflag:s8] =	ssyncadd.s32 @p0 $0xFFFFC000  }
0x42: {  	[spmem:s31] =	stream.linear.scatter @p0 [tilespmem:s7], [sflag:$0x3], $0x4000, $0x38;
	[tilespmem:$0x1E100] =	vst v63  }
0x43: {  	_ =	swait.ge @p0 [sflag:s8], $0x4000  }
0x44: {  	[sflag:s8] =	ssyncset.done @p0 $0x0  }
0x45: {  	[sflag:s8] =	ssyncadd.s32 @p0 $0xFFFFC000  }
0x46: {  	[spmem:s0] =	stream.linear.scatter @p0 [tilespmem:s7], [sflag:$0x3], $0x4000, $0x38;
	[tilespmem:$0x1E100] =	vst v63  }
0x47: {  	_ =	swait.ge @p0 [sflag:s8], $0x4000  }
0x48: {  	[sflag:s8] =	ssyncset.done @p0 $0x0  }
0x49: {  	s7 =	simm.s32 @!p0 $0x16100;
	[sflag:s8] =	ssyncadd.s32 @p0 $0xFFFFC000;
	s8 =	simm.s32 @!p0 $0x3  }
0x4a: {  	[spmem:s5] =	stream.linear.scatter @!p0 [tilespmem:s7], [sflag:$0x3], $0x4000, $0x38;
	[tilespmem:$0x1E100] =	vst v63  }
0x4b: {  	_ =	swait.ge @!p0 [sflag:s8], $0x4000  }
0x4c: {  	[sflag:s8] =	ssyncset.done @!p0 $0x0  }
0x4d: {  	s9 =	rddreg [dreg:$0x6];
	[sflag:s8] =	ssyncadd.s32 @!p0 $0xFFFFC000  }
0x4e: {  	[spmem:s9] =	stream.linear.scatter @!p0 [tilespmem:s7], [sflag:$0x3], $0x4000, $0x38;
	[tilespmem:$0x1E100] =	vst v63  }
0x4f: {  	_ =	swait.ge @!p0 [sflag:s8], $0x4000  }
0x50: {  	[sflag:s8] =	ssyncset.done @!p0 $0x0  }
0x51: {  	s9 =	rddreg [dreg:$0x7];
	[sflag:s8] =	ssyncadd.s32 @!p0 $0xFFFFC000  }
0x52: {  	[spmem:s9] =	stream.linear.scatter @!p0 [tilespmem:s7], [sflag:$0x3], $0x4000, $0x38;
	[tilespmem:$0x1E100] =	vst v63  }
0x53: {  	_ =	swait.ge @!p0 [sflag:s8], $0x4000  }
0x54: {  	[sflag:s8] =	ssyncset.done @!p0 $0x0  }
0x55: {  	[sflag:s8] =	ssyncadd.s32 @!p0 $0xFFFFC000  }
0x56: {  	[spmem:s24] =	stream.linear.scatter @!p0 [tilespmem:s7], [sflag:$0x3], $0x4000, $0x38;
	[tilespmem:$0x1E100] =	vst v63  }
0x57: {  	_ =	swait.ge @!p0 [sflag:s8], $0x4000  }
0x58: {  	[sflag:s8] =	ssyncset.done @!p0 $0x0  }
0x59: {  	[sflag:s8] =	ssyncadd.s32 @!p0 $0xFFFFC000  }
0x5a: {  	[spmem:s2] =	stream.linear.scatter @!p0 [tilespmem:s7], [sflag:$0x3], $0x3800, $0x38;
	[tilespmem:$0x1E100] =	vst v63  }
0x5b: {  	_ =	swait.ge @!p0 [sflag:s8], $0x3800  }
0x5c: {  	p1 =	sle.u32 s10, $0x0;
	[sflag:s8] =	ssyncset.done @!p0 $0x0  }
0x5d: {  	s9 =	simm.s32 @!p1 $0x16100;
	[sflag:s8] =	ssyncadd.s32 @!p0 $0xFFFFC800  }
0x5e: {  	s7 =	simm.s32 @!p1 $0x13900;
	s8 =	simm.s32 @!p1 $0x80;
	[bflag:$0x0] =	sbarrier.arrive $0xFFFF  }
0x5f: {  	[tilespmem:s9], [sflag:$0x1] =	stream.indirect.gather @!p1 [hbm4b:s1+s8], $0x80, s7, s8, $0xb8;
	[tilespmem:$0x1E100] =	vst v63  }
0x60: {  	s11 =	simm.s32 @!p1 $0x1A100;
	s12 =	simm.s32 @!p1 $0x1;
	s7 =	simm.s32 $0x13980  }
0x61: {  	[tilespmem:s11], [sflag:$0x2] =	stream.indirect.gather @!p1 [hbm4b:s1+s8], $0x80, s7, s8, $0xb8;
	[tilespmem:$0x1E100] =	vst v63  }
0x62: {  	_ =	swait.ge @!p1 [sflag:s12], $0x4000;
	p1 =	por p1, p1  }
0x63: {  	[sflag:s12] =	ssyncset.done @!p1 $0x0  }
0x64: {  	s7 =	simm.s32 @!p1 $0x14D00;
	[sflag:s12] =	ssyncadd.s32 @!p1 $0xFFFFC000;
	s12 =	simm.s32 @!p1 $0x4  }
0x65: {  	[spmem:s3] =	stream.indirect.scatter.add.f32 @!p1 [tilespmem:s9], [sflag:$0x4], $0x80, s7, s8, $0xb8;
	[tilespmem:$0x1E100] =	vst v63  }
0x66: {  	_ =	swait.ge @!p1 [sflag:s12], $0x4000  }
0x67: {  	[sflag:s12] =	ssyncset.done @!p1 $0x0  }
0x68: {  	s7 =	simm.s32 @!p1 $0x2;
	[sflag:s12] =	ssyncadd.s32 @!p1 $0xFFFFC000  }
0x69: {  	_ =	swait.ge @!p1 [sflag:s7], $0x4000  }
0x6a: {  	[sflag:s7] =	ssyncset.done @!p1 $0x0  }
0x6b: {  	s9 =	simm.s32 $0x14D80;
	[sflag:s7] =	ssyncadd.s32 @!p1 $0xFFFFC000  }
0x6c: {  	[spmem:s3] =	stream.indirect.scatter.add.f32 @!p1 [tilespmem:s11], [sflag:$0x3], $0x80, s9, s8, $0xb8;
	[tilespmem:$0x1E100] =	vst v63  }
0x6d: {  	p2 =	sle.u32 s10, $0x2;
	s7 =	simm.s32 $0x14E80;
	s11 =	simm.s32 @!p1 $0x3  }
0x6e: {  	s9 =	simm.s32 $0x4;
	s8 =	simm.s32 $0x13A80;
	_ =	swait.ge @!p1 [sflag:s11], $0x4000  }
.LBB2_4:
0x6f: {  	s12 =	sadd.s32 @!p2 $0xFFFFFF80, s8;
	s13 =	simm.s32 @!p2 $0x80  }
0x70: {  	[sflag:s11] =	ssyncset.done @!p1 $0x0;
	s14 =	smov.u32 s9;
	s15 =	smov.u32 s7  }
0x71: {  	s9 =	sadd.s32 $0x2, s9;
	s16 =	simm.s32 @!p2 $0x16100;
	[sflag:s11] =	ssyncadd.s32 @!p1 $0xFFFFC000  }
0x72: {  	[tilespmem:s16], [sflag:$0x1] =	stream.indirect.gather @!p2 [hbm4b:s1+s13], $0x80, s12, s13, $0xb8;
	[tilespmem:$0x1E100] =	vst v63  }
0x73: {  	p3 =	sne.s32 s9, $0x28;
	s11 =	simm.s32 @!p2 $0x1;
	s12 =	simm.s32 @!p2 $0x1A100  }
0x74: {  	[tilespmem:s12], [sflag:$0x2] =	stream.indirect.gather @!p2 [hbm4b:s1+s13], $0x80, s8, s13, $0xb8;
	[tilespmem:$0x1E100] =	vst v63  }
0x75: {  	p1 =	por p2, p2;
	_ =	swait.ge @!p2 [sflag:s11], $0x4000  }
0x76: {  	[sflag:s11] =	ssyncset.done @!p1 $0x0  }
0x77: {  	s17 =	simm.s32 @!p1 $0x4;
	[sflag:s11] =	ssyncadd.s32 @!p1 $0xFFFFC000;
	s11 =	sadd.s32 @!p1 $0xFFFFFF80, s7  }
0x78: {  	[spmem:s3] =	stream.indirect.scatter.add.f32 @!p1 [tilespmem:s16], [sflag:$0x4], $0x80, s11, s13, $0xb8;
	[tilespmem:$0x1E100] =	vst v63  }
0x79: {  	_ =	swait.ge @!p1 [sflag:s17], $0x4000  }
0x7a: {  	[sflag:s17] =	ssyncset.done @!p1 $0x0  }
0x7b: {  	s11 =	simm.s32 @!p1 $0x2;
	[sflag:s17] =	ssyncadd.s32 @!p1 $0xFFFFC000  }
.Ltmp1:
0x7c: {  	_ =	swait.ge @!p1 [sflag:s11], $0x4000;
	(pc) =	sbr.rel @p3 .LBB2_4-.Ltmp1, $4  }
0x7d: {  	[sflag:s11] =	ssyncset.done @!p1 $0x0  }
0x7e: {  	s7 =	sadd.s32 $0x100, s7;
	[sflag:s11] =	ssyncadd.s32 @!p1 $0xFFFFC000;
	s11 =	simm.s32 @!p1 $0x3  }
0x7f: {  	[spmem:s3] =	stream.indirect.scatter.add.f32 @!p1 [tilespmem:s12], [sflag:$0x3], $0x80, s15, s13, $0xb8;
	[tilespmem:$0x1E100] =	vst v63  }
0x80: {  	s8 =	sadd.s32 $0x100, s8;
	p2 =	sge.u32 s14, s10;
	_ =	swait.ge @!p1 [sflag:s11], $0x4000  }
0x81: {  	s9 =	sadd.s32 @!p2 $0xFFFFFF80, s8;
	[sflag:s11] =	ssyncset.done @!p1 $0x0  }
0x82: {  	s12 =	simm.s32 @!p2 $0x80;
	[sflag:s11] =	ssyncadd.s32 @!p1 $0xFFFFC000;
	s11 =	simm.s32 @!p2 $0x16100  }
0x83: {  	[tilespmem:s11], [sflag:$0x1] =	stream.indirect.gather @!p2 [hbm4b:s1+s12], $0x80, s9, s12, $0xb8;
	[tilespmem:$0x1E100] =	vst v63  }
0x84: {  	s9 =	simm.s32 @!p2 $0x1A100  }
0x85: {  	[tilespmem:s9], [sflag:$0x2] =	stream.indirect.gather @!p2 [hbm4b:s1+s12], $0x80, s8, s12, $0xb8;
	[tilespmem:$0x1E100] =	vst v63  }
0x86: {  	s8 =	simm.s32 @!p2 $0x1  }
0x87: {  	p1 =	por p2, p2;
	_ =	swait.ge @!p2 [sflag:s8], $0x4000  }
0x88: {  	[sflag:s8] =	ssyncset.done @!p1 $0x0  }
0x89: {  	[sflag:s8] =	ssyncadd.s32 @!p1 $0xFFFFC000;
	s8 =	sadd.s32 @!p1 $0xFFFFFF80, s7  }
0x8a: {  	[spmem:s3] =	stream.indirect.scatter.add.f32 @!p1 [tilespmem:s11], [sflag:$0x4], $0x80, s8, s12, $0xb8;
	[tilespmem:$0x1E100] =	vst v63  }
0x8b: {  	s8 =	simm.s32 @!p1 $0x4  }
0x8c: {  	_ =	swait.ge @!p1 [sflag:s8], $0x4000  }
0x8d: {  	[sflag:s8] =	ssyncset.done @!p1 $0x0  }
0x8e: {  	[sflag:s8] =	ssyncadd.s32 @!p1 $0xFFFFC000;
	s8 =	simm.s32 @!p1 $0x2  }
0x8f: {  	_ =	swait.ge @!p1 [sflag:s8], $0x4000  }
0x90: {  	[sflag:s8] =	ssyncset.done @!p1 $0x0  }
0x91: {  	[sflag:s8] =	ssyncadd.s32 @!p1 $0xFFFFC000  }
0x92: {  	[spmem:s3] =	stream.indirect.scatter.add.f32 @!p1 [tilespmem:s9], [sflag:$0x3], $0x80, s7, s12, $0xb8;
	[tilespmem:$0x1E100] =	vst v63  }
0x93: {  	s7 =	simm.s32 @!p1 $0x3  }
0x94: {  	_ =	swait.ge @!p1 [sflag:s7], $0x4000  }
0x95: {  	[sflag:s7] =	ssyncset.done @!p1 $0x0  }
0x96: {  	[sflag:s7] =	ssyncadd.s32 @!p1 $0xFFFFC000  }
0x97: {  	s8 =	simm.s32 @p0 $0x3;
	s7 =	simm.s32 @p0 $0x16100;
	[bflag:$0x0] =	sbarrier.arrive $0xFFFF  }
0x98: {  	[tilespmem:s7], [sflag:$0x3] =	stream.linear.gather @p0 [spmem:s26], $0x4000, $0x38;
	[tilespmem:$0x1E100] =	vst v63  }
0x99: {  	_ =	swait.ge @p0 [sflag:s8], $0x4000  }
0x9a: {  	[sflag:s8] =	ssyncset.done @p0 $0x0  }
0x9b: {  	s9 =	simm.s32 @p0 $0x0;
	[sflag:s8] =	ssyncadd.s32 @p0 $0xFFFFC000  }
0x9c: {  	[hbm4b:s19+s9] =	stream.linear.scatter @p0 [tilespmem:s7], [sflag:$0x3], $0x4000, $0x38;
	[tilespmem:$0x1E100] =	vst v63  }
0x9d: {  	_ =	swait.ge @p0 [sflag:s8], $0x4000  }
0x9e: {  	[sflag:s8] =	ssyncset.done @p0 $0x0  }
0x9f: {  	[sflag:s8] =	ssyncadd.s32 @p0 $0xFFFFC000  }
0xa0: {  	[tilespmem:s7], [sflag:$0x3] =	stream.linear.gather @p0 [spmem:s28], $0x4000, $0x38;
	[tilespmem:$0x1E100] =	vst v63  }
0xa1: {  	_ =	swait.ge @p0 [sflag:s8], $0x4000  }
0xa2: {  	[sflag:s8] =	ssyncset.done @p0 $0x0  }
0xa3: {  	[sflag:s8] =	ssyncadd.s32 @p0 $0xFFFFC000  }
0xa4: {  	[hbm4b:s20+s9] =	stream.linear.scatter @p0 [tilespmem:s7], [sflag:$0x3], $0x4000, $0x38;
	[tilespmem:$0x1E100] =	vst v63  }
0xa5: {  	_ =	swait.ge @p0 [sflag:s8], $0x4000  }
0xa6: {  	[sflag:s8] =	ssyncset.done @p0 $0x0  }
0xa7: {  	[sflag:s8] =	ssyncadd.s32 @p0 $0xFFFFC000  }
0xa8: {  	[tilespmem:s7], [sflag:$0x3] =	stream.linear.gather @p0 [spmem:s30], $0x4000, $0x38;
	[tilespmem:$0x1E100] =	vst v63  }
0xa9: {  	_ =	swait.ge @p0 [sflag:s8], $0x4000  }
0xaa: {  	[sflag:s8] =	ssyncset.done @p0 $0x0  }
0xab: {  	[sflag:s8] =	ssyncadd.s32 @p0 $0xFFFFC000  }
0xac: {  	[hbm4b:s21+s9] =	stream.linear.scatter @p0 [tilespmem:s7], [sflag:$0x3], $0x4000, $0x38;
	[tilespmem:$0x1E100] =	vst v63  }
0xad: {  	_ =	swait.ge @p0 [sflag:s8], $0x4000  }
0xae: {  	[sflag:s8] =	ssyncset.done @p0 $0x0  }
0xaf: {  	[sflag:s8] =	ssyncadd.s32 @p0 $0xFFFFC000  }
0xb0: {  	[tilespmem:s7], [sflag:$0x3] =	stream.linear.gather @p0 [spmem:s31], $0x4000, $0x38;
	[tilespmem:$0x1E100] =	vst v63  }
0xb1: {  	_ =	swait.ge @p0 [sflag:s8], $0x4000  }
0xb2: {  	[sflag:s8] =	ssyncset.done @p0 $0x0  }
0xb3: {  	[sflag:s8] =	ssyncadd.s32 @p0 $0xFFFFC000  }
0xb4: {  	[hbm4b:s22+s9] =	stream.linear.scatter @p0 [tilespmem:s7], [sflag:$0x3], $0x4000, $0x38;
	[tilespmem:$0x1E100] =	vst v63  }
0xb5: {  	_ =	swait.ge @p0 [sflag:s8], $0x4000  }
0xb6: {  	[sflag:s8] =	ssyncset.done @p0 $0x0  }
0xb7: {  	[sflag:s8] =	ssyncadd.s32 @p0 $0xFFFFC000  }
0xb8: {  	[tilespmem:s7], [sflag:$0x3] =	stream.linear.gather @p0 [spmem:s0], $0x4000, $0x38;
	[tilespmem:$0x1E100] =	vst v63  }
0xb9: {  	_ =	swait.ge @p0 [sflag:s8], $0x4000  }
0xba: {  	[sflag:s8] =	ssyncset.done @p0 $0x0  }
0xbb: {  	[sflag:s8] =	ssyncadd.s32 @p0 $0xFFFFC000  }
0xbc: {  	[hbm4b:s23+s9] =	stream.linear.scatter @p0 [tilespmem:s7], [sflag:$0x3], $0x4000, $0x38;
	[tilespmem:$0x1E100] =	vst v63  }
0xbd: {  	_ =	swait.ge @p0 [sflag:s8], $0x4000  }
0xbe: {  	[sflag:s8] =	ssyncset.done @p0 $0x0  }
0xbf: {  	s7 =	simm.s32 @!p0 $0x16100;
	[sflag:s8] =	ssyncadd.s32 @p0 $0xFFFFC000;
	s8 =	simm.s32 @!p0 $0x3  }
0xc0: {  	[tilespmem:s7], [sflag:$0x3] =	stream.linear.gather @!p0 [spmem:s5], $0x4000, $0x38;
	[tilespmem:$0x1E100] =	vst v63  }
0xc1: {  	_ =	swait.ge @!p0 [sflag:s8], $0x4000  }
0xc2: {  	[sflag:s8] =	ssyncset.done @!p0 $0x0  }
0xc3: {  	s9 =	simm.s32 @!p0 $0x0;
	s11 =	rddreg [dreg:$0x8];
	[sflag:s8] =	ssyncadd.s32 @!p0 $0xFFFFC000  }
0xc4: {  	[hbm4b:s11+s9] =	stream.linear.scatter @!p0 [tilespmem:s7], [sflag:$0x3], $0x4000, $0x38;
	[tilespmem:$0x1E100] =	vst v63  }
0xc5: {  	_ =	swait.ge @!p0 [sflag:s8], $0x4000  }
0xc6: {  	[sflag:s8] =	ssyncset.done @!p0 $0x0  }
0xc7: {  	s11 =	rddreg [dreg:$0x9];
	[sflag:s8] =	ssyncadd.s32 @!p0 $0xFFFFC000  }
0xc8: {  	[tilespmem:s7], [sflag:$0x3] =	stream.linear.gather @!p0 [spmem:s11], $0x4000, $0x38;
	[tilespmem:$0x1E100] =	vst v63  }
0xc9: {  	_ =	swait.ge @!p0 [sflag:s8], $0x4000  }
0xca: {  	[sflag:s8] =	ssyncset.done @!p0 $0x0  }
0xcb: {  	s11 =	rddreg [dreg:$0xa];
	[sflag:s8] =	ssyncadd.s32 @!p0 $0xFFFFC000  }
0xcc: {  	[hbm4b:s11+s9] =	stream.linear.scatter @!p0 [tilespmem:s7], [sflag:$0x3], $0x4000, $0x38;
	[tilespmem:$0x1E100] =	vst v63  }
0xcd: {  	_ =	swait.ge @!p0 [sflag:s8], $0x4000  }
0xce: {  	[sflag:s8] =	ssyncset.done @!p0 $0x0  }
0xcf: {  	s11 =	rddreg [dreg:$0xb];
	[sflag:s8] =	ssyncadd.s32 @!p0 $0xFFFFC000  }
0xd0: {  	[tilespmem:s7], [sflag:$0x3] =	stream.linear.gather @!p0 [spmem:s11], $0x4000, $0x38;
	[tilespmem:$0x1E100] =	vst v63  }
0xd1: {  	_ =	swait.ge @!p0 [sflag:s8], $0x4000  }
0xd2: {  	[sflag:s8] =	ssyncset.done @!p0 $0x0  }
0xd3: {  	s11 =	rddreg [dreg:$0xc];
	[sflag:s8] =	ssyncadd.s32 @!p0 $0xFFFFC000  }
0xd4: {  	[hbm4b:s11+s9] =	stream.linear.scatter @!p0 [tilespmem:s7], [sflag:$0x3], $0x4000, $0x38;
	[tilespmem:$0x1E100] =	vst v63  }
0xd5: {  	_ =	swait.ge @!p0 [sflag:s8], $0x4000  }
0xd6: {  	[sflag:s8] =	ssyncset.done @!p0 $0x0  }
0xd7: {  	s11 =	rddreg [dreg:$0xd];
	[sflag:s8] =	ssyncadd.s32 @!p0 $0xFFFFC000  }
0xd8: {  	[tilespmem:s7], [sflag:$0x3] =	stream.linear.gather @!p0 [spmem:s11], $0x4000, $0x38;
	[tilespmem:$0x1E100] =	vst v63  }
0xd9: {  	_ =	swait.ge @!p0 [sflag:s8], $0x4000  }
0xda: {  	[sflag:s8] =	ssyncset.done @!p0 $0x0  }
0xdb: {  	s11 =	rddreg [dreg:$0xe];
	[sflag:s8] =	ssyncadd.s32 @!p0 $0xFFFFC000  }
0xdc: {  	[hbm4b:s11+s9] =	stream.linear.scatter @!p0 [tilespmem:s7], [sflag:$0x3], $0x4000, $0x38;
	[tilespmem:$0x1E100] =	vst v63  }
0xdd: {  	_ =	swait.ge @!p0 [sflag:s8], $0x4000  }
0xde: {  	[sflag:s8] =	ssyncset.done @!p0 $0x0  }
0xdf: {  	[sflag:s8] =	ssyncadd.s32 @!p0 $0xFFFFC000  }
0xe0: {  	[tilespmem:s7], [sflag:$0x3] =	stream.linear.gather @!p0 [spmem:s25], $0x3800, $0x38;
	[tilespmem:$0x1E100] =	vst v63  }
0xe1: {  	s6 =	sadd.s32 $0x1, s6;
	_ =	swait.ge @!p0 [sflag:s8], $0x3800  }
0xe2: {  	p1 =	sne.s32 s6, s29;
	[sflag:s8] =	ssyncset.done @!p0 $0x0  }
.Ltmp2:
0xe3: {  	[sflag:s8] =	ssyncadd.s32 @!p0 $0xFFFFC800;
	(pc) =	sbr.rel @p1 .LBB2_1-.Ltmp2, $4  }
0xe4: {  	[hbm4b:s18+s9] =	stream.linear.scatter @!p0 [tilespmem:s7], [sflag:$0x3], $0x3800, $0x38;
	[tilespmem:$0x1E100] =	vst v63  }
0xe5: {  	_ =	swait.ge @!p0 [sflag:s8], $0x3800  }
0xe6: {  	[sflag:s8] =	ssyncset.done @!p0 $0x0  }
0xe7: {  	[sflag:s8] =	ssyncadd.s32 @!p0 $0xFFFFC800  }
0xe8: {  	_ =	sfence.sel $0x180000  }
0xe9: {  	[bflag:$0x0] =	sbarrier.arrive $0xFFFF  }
0xea: {  	_ =	strace $0x90000047  }
0xeb: {  	s0 =	stileid.u32;
	[bflag:$0x2] =	sbarrier.arrive $0xFFFF  }
0xec: {  	p0 =	sne.s32 s0, $0x0;
	s0 =	rddreg [dreg:$0x3]  }
0xed: {  	s0 =	sadd.s32 @!p0 $0x100000, s0  }
0xee: {  	[sflag:s0] =	ssyncadd.tile.s32 @!p0 $0x1;
	_ =	shalt  }
.Lfunc_end2:
_tile_overlayer_lowered:
.L_overlay_start_2:
0xef: {  	(tag) =	ssettag $0x2  }
0xf0: {  	s0 =	rddreg [dreg:$0x0];
	s2 =	stileid.u32  }
0xf1: {  	s1 =	rddreg [dreg:$0x1];
	p0 =	sne.s32 s2, $0x0  }
0xf2: {  	s3 =	rddreg [dreg:$0x2];
	[bflag:$0x3] =	sbarrier.arrive $0xFFFF;
	s2 =	simm.s32 @!p0 $0x1C03  }
0xf3: {  	[timem:s3], [sflag:s2] =	dma.local @!p0 [hbm:s0], s1  }
0xf4: {  	s0 =	simm.s32 @!p0 $0x3  }
0xf5: {  	_ =	swait.ge @!p0 [sflag:s0], s1  }
0xf6: {  	s1 =	ssub.s32 @!p0 $0x0, s1;
	[sflag:s0] =	ssyncset.done @!p0 $0x0  }
0xf7: {  	[sflag:s0] =	ssyncadd.s32 @!p0 s1  }
0xf8: {  	[bflag:$0x3] =	sbarrier.arrive $0xFFFF  }
0xf9: {  	_ =	shalt  }

</sc_bundles>
